<compile_context>
chip_gen: v7x
topology: tpu7x:2x2x1
jax: 0.10.2.dev20260603
libtpu: 0.0.44.dev20260713+nightly
codegen_flags: <defaults>
</compile_context>

<pallas_src>
import functools

import jax
import jax.numpy as jnp
from jax import lax
from jax.experimental import pallas as pl
from jax.experimental.pallas import tpu as pltpu
from jax.experimental.pallas import tpu_sc as plsc

N = 6400000
M = 100000
NW = 32
SPAN = 3136
M_PAD = NW * SPAN
CHUNK = 8192
L = 16

NEG_INF = float("-inf")
POS_INF = float("inf")


def _body(x_hbm, idx_hbm, splits_hbm, in_hbm,
          omax_hbm, osum_hbm, omin_hbm, omul_hbm,
          xbuf, ibuf, sbuf, inbuf, amax, asum, amin, amul):
    cid = lax.axis_index("c")
    sid = lax.axis_index("s")
    wid = sid * 2 + cid
    seg_base = wid * SPAN

    iota = lax.iota(jnp.int32, L)
    p_next = jnp.minimum(iota + 1, L - 1)
    p_shift = [jnp.maximum(iota - d, 0) for d in (1, 2, 4, 8)]
    elig = [iota >= d for d in (1, 2, 4, 8)]

    def perm(v, pidx):
        return jnp.take_along_axis(v, pidx, axis=0, mode="promise_in_bounds")

    def init(j, _):
        sl = pl.ds(j * L, L)
        amax[sl] = jnp.full((L,), NEG_INF, jnp.float32)
        asum[sl] = jnp.zeros((L,), jnp.float32)
        amin[sl] = jnp.full((L,), POS_INF, jnp.float32)
        amul[sl] = jnp.ones((L,), jnp.float32)
        return 0
    lax.fori_loop(0, SPAN // L, init, 0)

    pltpu.sync_copy(splits_hbm, sbuf)
    widv = jnp.full((L,), wid, jnp.int32)
    e_lo = jnp.max(plsc.load_gather(sbuf, [widv]))
    e_hi = jnp.max(plsc.load_gather(sbuf, [widv + 1]))
    e_lo_al = (e_lo // L) * L
    nchunks = (e_hi - e_lo_al + CHUNK - 1) // CHUNK

    def do_chunk(c, _):
        start = e_lo_al + c * CHUNK
        pltpu.sync_copy(x_hbm.at[pl.ds(start, CHUNK)], xbuf)
        pltpu.sync_copy(idx_hbm.at[pl.ds(start, CHUNK)], ibuf)

        def do_vreg(j, _):
            sl = pl.ds(j * L, L)
            xv = xbuf[sl]
            idxv = ibuf[sl]
            pos = start + j * L + iota
            valid = (pos >= e_lo) & (pos < e_hi)
            lidx = jnp.clip(idxv - seg_base, 0, SPAN - 1)

            nxt = perm(idxv, p_next)
            end = (idxv != nxt) | (iota == L - 1) | (pos + 1 == e_hi)
            scat = end & valid

            sels = [(idxv == perm(idxv, p)) & e for p, e in zip(p_shift, elig)]

            def seg_reduce(acc_ref, v, combine):
                y = v
                for p, sel in zip(p_shift, sels):
                    y = jnp.where(sel, combine(y, perm(y, p)), y)
                carry = plsc.load_gather(acc_ref, [lidx])
                y = combine(y, carry)
                plsc.store_scatter(acc_ref, [lidx], y, mask=scat)

            seg_reduce(amax, xv, jnp.maximum)
            seg_reduce(asum, xv, lax.add)
            seg_reduce(amin, xv, jnp.minimum)
            seg_reduce(amul, xv, lax.mul)
            return 0
        lax.fori_loop(0, CHUNK // L, do_vreg, 0)
        return 0
    lax.fori_loop(0, nchunks, do_chunk, 0)

    pltpu.sync_copy(in_hbm.at[pl.ds(seg_base, SPAN)], inbuf)

    def fin(j, _):
        sl = pl.ds(j * L, L)
        iv = inbuf[sl]
        amax[sl] = jnp.maximum(iv, amax[sl])
        asum[sl] = iv + asum[sl]
        amin[sl] = jnp.minimum(iv, amin[sl])
        amul[sl] = iv * amul[sl]
        return 0
    lax.fori_loop(0, SPAN // L, fin, 0)

    osl = pl.ds(seg_base, SPAN)
    pltpu.sync_copy(amax, omax_hbm.at[osl])
    pltpu.sync_copy(asum, osum_hbm.at[osl])
    pltpu.sync_copy(amin, omin_hbm.at[osl])
    pltpu.sync_copy(amul, omul_hbm.at[osl])


_out = jax.ShapeDtypeStruct((M_PAD,), jnp.float32)

_sc_call = pl.kernel(
    _body,
    out_type=[_out, _out, _out, _out],
    mesh=plsc.VectorSubcoreMesh(core_axis_name="c", subcore_axis_name="s"),
    scratch_types=[
        pltpu.VMEM((CHUNK,), jnp.float32),
        pltpu.VMEM((CHUNK,), jnp.int32),
        pltpu.VMEM((128,), jnp.int32),
        pltpu.VMEM((SPAN,), jnp.float32),
        pltpu.VMEM((SPAN,), jnp.float32),
        pltpu.VMEM((SPAN,), jnp.float32),
        pltpu.VMEM((SPAN,), jnp.float32),
        pltpu.VMEM((SPAN,), jnp.float32),
    ],
    compiler_params=pltpu.CompilerParams(needs_layout_passes=False),
)


def kernel(x, index, input):
    bounds = (jnp.arange(NW + 1, dtype=jnp.int32) * SPAN).astype(jnp.int32)
    splits = jnp.searchsorted(index, bounds, side="left").astype(jnp.int32)
    splits = jnp.pad(splits, (0, 128 - (NW + 1)), constant_values=N)
    xp = jnp.pad(x, (0, CHUNK))
    ip = jnp.pad(index, (0, CHUNK), constant_values=M)
    inp = jnp.pad(input, (0, M_PAD - M))
    ymax, ysum, ymin, ymul = _sc_call(xp, ip, splits, inp)
    return (ymax[:M], ysum[:M], ymin[:M], ymul[:M])

# --- scband reference (transcript-rebuilt; emitter-appended) ---
"""Pipeline reference for scband-model-11879879542032 (READ-ONLY COPY).

The authoritative reference and input builder live on the scoring server;
editing this copy changes nothing except your own understanding.
"""

import jax, jax.numpy as jnp
import numpy as np

N = 6400000
M = 100000

def setup_inputs(seed: int = 0) -> dict:
    key = jax.random.key(seed)
    k1, k2, k3 = jax.random.split(key, 3)
    x = jax.random.normal(k1, (N,), dtype=jnp.float32)
    index = jnp.sort(jax.random.randint(k2, (N,), 0, M, dtype=jnp.int32))
    inp = jax.random.normal(k3, (M,), dtype=jnp.float32)
    return {"x": x, "index": index, "input": inp}

def reference(x, index, input):
    # torch scatter_reduce with include_self=True: the destination tensor's
    # original values participate in the reduction; untouched positions keep
    # their original value.
    M_ = input.shape[0]
    seg_sum = jax.ops.segment_sum(x, index, num_segments=M_)
    seg_max = jax.ops.segment_max(x, index, num_segments=M_)
    seg_min = jax.ops.segment_min(x, index, num_segments=M_)
    seg_prod = jax.ops.segment_prod(x, index, num_segments=M_)
    y_max = jnp.maximum(input, seg_max)
    y_sum = input + seg_sum
    y_min = jnp.minimum(input, seg_min)
    y_mul = input * seg_prod
    return (y_max, y_sum, y_min, y_mul)

if __name__ == "__main__":
    import jax
    _d = setup_inputs()
    print(jax.jit(kernel)(*tuple(_d.values())))

</pallas_src>

<mosaic_0001>
#map = affine_map<(d0, d1) -> (0)>
module attributes {stable_mosaic.version = 14 : i64} {
  func.func @_body(%arg0: i32, %arg1: i32, %arg2: memref<6408192xf32, #tpu.memory_space<hbm>>, %arg3: memref<6408192xi32, #tpu.memory_space<hbm>>, %arg4: memref<128xi32, #tpu.memory_space<hbm>>, %arg5: memref<100352xf32, #tpu.memory_space<hbm>>, %arg6: memref<100352xf32, #tpu.memory_space<hbm>>, %arg7: memref<100352xf32, #tpu.memory_space<hbm>>, %arg8: memref<100352xf32, #tpu.memory_space<hbm>>, %arg9: memref<100352xf32, #tpu.memory_space<hbm>>, %arg10: memref<8192xf32, #tpu.memory_space<vmem>>, %arg11: memref<8192xi32, #tpu.memory_space<vmem>>, %arg12: memref<128xi32, #tpu.memory_space<vmem>>, %arg13: memref<3136xf32, #tpu.memory_space<vmem>>, %arg14: memref<3136xf32, #tpu.memory_space<vmem>>, %arg15: memref<3136xf32, #tpu.memory_space<vmem>>, %arg16: memref<3136xf32, #tpu.memory_space<vmem>>, %arg17: memref<3136xf32, #tpu.memory_space<vmem>>) attributes {dimension_semantics = [#tpu.dimension_semantics<core_parallel>, #tpu.dimension_semantics<subcore_parallel>], iteration_bounds = array<i64: 2, 16>, scalar_prefetch = 0 : i64, scratch_operands = 8 : i64, tpu.core_type = #tpu.core_type<sc_vector_subcore>, window_params = [{transform_indices = #map}, {transform_indices = #map}, {transform_indices = #map}, {transform_indices = #map}, {transform_indices = #map}, {transform_indices = #map}, {transform_indices = #map}, {transform_indices = #map}]} {
    %mul3A = arith.constant 2 : i32
    %mul3A_0 = arith.muli %arg1, %mul3A : i32
    %add3A = arith.addi %mul3A_0, %arg0 : i32
    %mul3A_1 = arith.constant 3136 : i32
    %mul3A_2 = arith.muli %add3A, %mul3A_1 : i32
    %iota3A = tpu.iota {dimensions = array<i32: 0>} : vector<16xi32>
    %add3A_3 = arith.constant 1 : i32
    %add3A_4 = vector.broadcast %add3A_3 : i32 to vector<16xi32>
    %add3A_5 = arith.addi %iota3A, %add3A_4 : vector<16xi32>
    %min3A = arith.constant 15 : i32
    %min3A_6 = vector.broadcast %min3A : i32 to vector<16xi32>
    %min3A_7 = arith.minsi %add3A_5, %min3A_6 : vector<16xi32>
    %sub3A = arith.constant 1 : i32
    %sub3A_8 = vector.broadcast %sub3A : i32 to vector<16xi32>
    %sub3A_9 = arith.subi %iota3A, %sub3A_8 : vector<16xi32>
    %max3A = arith.constant 0 : i32
    %max3A_10 = vector.broadcast %max3A : i32 to vector<16xi32>
    %max3A_11 = arith.maxsi %sub3A_9, %max3A_10 : vector<16xi32>
    %sub3A_12 = arith.constant 2 : i32
    %sub3A_13 = vector.broadcast %sub3A_12 : i32 to vector<16xi32>
    %sub3A_14 = arith.subi %iota3A, %sub3A_13 : vector<16xi32>
    %max3A_15 = arith.constant 0 : i32
    %max3A_16 = vector.broadcast %max3A_15 : i32 to vector<16xi32>
    %max3A_17 = arith.maxsi %sub3A_14, %max3A_16 : vector<16xi32>
    %sub3A_18 = arith.constant 4 : i32
    %sub3A_19 = vector.broadcast %sub3A_18 : i32 to vector<16xi32>
    %sub3A_20 = arith.subi %iota3A, %sub3A_19 : vector<16xi32>
    %max3A_21 = arith.constant 0 : i32
    %max3A_22 = vector.broadcast %max3A_21 : i32 to vector<16xi32>
    %max3A_23 = arith.maxsi %sub3A_20, %max3A_22 : vector<16xi32>
    %sub3A_24 = arith.constant 8 : i32
    %sub3A_25 = vector.broadcast %sub3A_24 : i32 to vector<16xi32>
    %sub3A_26 = arith.subi %iota3A, %sub3A_25 : vector<16xi32>
    %max3A_27 = arith.constant 0 : i32
    %max3A_28 = vector.broadcast %max3A_27 : i32 to vector<16xi32>
    %max3A_29 = arith.maxsi %sub3A_26, %max3A_28 : vector<16xi32>
    %ge3A = arith.constant 1 : i32
    %ge3A_30 = vector.broadcast %ge3A : i32 to vector<16xi32>
    %ge3A_31 = arith.cmpi sge, %iota3A, %ge3A_30 : vector<16xi32>
    %ge3A_32 = arith.constant 2 : i32
    %ge3A_33 = vector.broadcast %ge3A_32 : i32 to vector<16xi32>
    %ge3A_34 = arith.cmpi sge, %iota3A, %ge3A_33 : vector<16xi32>
    %ge3A_35 = arith.constant 4 : i32
    %ge3A_36 = vector.broadcast %ge3A_35 : i32 to vector<16xi32>
    %ge3A_37 = arith.cmpi sge, %iota3A, %ge3A_36 : vector<16xi32>
    %ge3A_38 = arith.constant 8 : i32
    %ge3A_39 = vector.broadcast %ge3A_38 : i32 to vector<16xi32>
    %ge3A_40 = arith.cmpi sge, %iota3A, %ge3A_39 : vector<16xi32>
    %scan3A = arith.constant 0 : i32
    %scan3A_41 = arith.constant 0 : i32
    %scan3A_42 = arith.constant 196 : i32
    %scan3A_43 = arith.addi %scan3A_41, %scan3A_42 : i32
    %scan3A_44 = arith.constant 1 : i32
    %scan3A_45 = scf.for %scan3A_132 = %scan3A_41 to %scan3A_43 step %scan3A_44 iter_args(%scan3A_133 = %scan3A) -> (i32)  : i32 {
      %mul3A_134 = arith.constant 16 : i32
      %mul3A_135 = arith.muli %scan3A_132, %mul3A_134 : i32
      %broadcast_in_dim3A_136 = arith.constant 0xFF800000 : f32
      %broadcast_in_dim3A_137 = vector.broadcast %broadcast_in_dim3A_136 : f32 to vector<16xf32>
      %swap3A = arith.index_cast %mul3A_135 : i32 to index
      %swap3A_138 = tpu.vector_load %arg14[%swap3A] {strides = array<i32>} : memref<3136xf32, #tpu.memory_space<vmem>>, vector<16xf32>,
      tpu.vector_store %arg14[%swap3A], %broadcast_in_dim3A_137 {strides = array<i32>} : memref<3136xf32, #tpu.memory_space<vmem>>, vector<16xf32>,
      %broadcast_in_dim3A_139 = arith.constant 0.000000e+00 : f32
      %broadcast_in_dim3A_140 = vector.broadcast %broadcast_in_dim3A_139 : f32 to vector<16xf32>
      %swap3A_141 = arith.index_cast %mul3A_135 : i32 to index
      %swap3A_142 = tpu.vector_load %arg15[%swap3A_141] {strides = array<i32>} : memref<3136xf32, #tpu.memory_space<vmem>>, vector<16xf32>,
      tpu.vector_store %arg15[%swap3A_141], %broadcast_in_dim3A_140 {strides = array<i32>} : memref<3136xf32, #tpu.memory_space<vmem>>, vector<16xf32>,
      %broadcast_in_dim3A_143 = arith.constant 0x7F800000 : f32
      %broadcast_in_dim3A_144 = vector.broadcast %broadcast_in_dim3A_143 : f32 to vector<16xf32>
      %swap3A_145 = arith.index_cast %mul3A_135 : i32 to index
      %swap3A_146 = tpu.vector_load %arg16[%swap3A_145] {strides = array<i32>} : memref<3136xf32, #tpu.memory_space<vmem>>, vector<16xf32>,
      tpu.vector_store %arg16[%swap3A_145], %broadcast_in_dim3A_144 {strides = array<i32>} : memref<3136xf32, #tpu.memory_space<vmem>>, vector<16xf32>,
      %broadcast_in_dim3A_147 = arith.constant 1.000000e+00 : f32
      %broadcast_in_dim3A_148 = vector.broadcast %broadcast_in_dim3A_147 : f32 to vector<16xf32>
      %swap3A_149 = arith.index_cast %mul3A_135 : i32 to index
      %swap3A_150 = tpu.vector_load %arg17[%swap3A_149] {strides = array<i32>} : memref<3136xf32, #tpu.memory_space<vmem>>, vector<16xf32>,
      tpu.vector_store %arg17[%swap3A_149], %broadcast_in_dim3A_148 {strides = array<i32>} : memref<3136xf32, #tpu.memory_space<vmem>>, vector<16xf32>,
      %scan3A_151 = arith.constant 0 : i32
      scf.yield %scan3A_151 : i32
    }
    %scan3A_46 = arith.constant 196 : i32
    "tpu.region"() ({
      %run_scoped3A = tpu.sem_alloc : memref<!tpu.dma_semaphore, #tpu.memory_space<semaphore_mem>>
      tpu.enqueue_dma source(%arg4 : memref<128xi32, #tpu.memory_space<hbm>>) target(%arg12 : memref<128xi32, #tpu.memory_space<vmem>>) target_semaphore(%run_scoped3A : memref<!tpu.dma_semaphore, #tpu.memory_space<semaphore_mem>>)
      tpu.wait_dma2 semaphore(%run_scoped3A : memref<!tpu.dma_semaphore, #tpu.memory_space<semaphore_mem>>) src(%arg4 : memref<128xi32, #tpu.memory_space<hbm>>) dst(%arg12 : memref<128xi32, #tpu.memory_space<vmem>>)
      tpu.yield
    }) : () -> ()
    %broadcast_in_dim3A = vector.broadcast %add3A : i32 to vector<16xi32>
    %gather3A = tpu.vector_load_idx %arg12[%broadcast_in_dim3A] : memref<128xi32, #tpu.memory_space<vmem>>[vector<16xi32>], vector<16xi32>,
    %reduce_max3A = arith.constant true
    %reduce_max3A_47 = vector.broadcast %reduce_max3A : i1 to vector<16xi1>
    %reduce_max3A_48 = arith.constant -2147483648 : i32
    %reduce_max3A_49 = vector.broadcast %reduce_max3A_48 : i32 to vector<16xi32>
    %reduce_max3A_50 = arith.xori %gather3A, %reduce_max3A_49 : vector<16xi32>
    %reduce_max3A_51 = tpu.scan <max>, %reduce_max3A_50 masked %reduce_max3A_47 : vector<16xi32>, vector<16xi1> -> vector<16xi32>
    %reduce_max3A_52 = arith.xori %reduce_max3A_51, %reduce_max3A_49 : vector<16xi32>
    %reduce_max3A_53 = vector.extract %reduce_max3A_52[15] : i32 from vector<16xi32>
    %add3A_54 = arith.constant 1 : i32
    %add3A_55 = vector.broadcast %add3A_54 : i32 to vector<16xi32>
    %add3A_56 = arith.addi %broadcast_in_dim3A, %add3A_55 : vector<16xi32>
    %gather3A_57 = tpu.vector_load_idx %arg12[%add3A_56] : memref<128xi32, #tpu.memory_space<vmem>>[vector<16xi32>], vector<16xi32>,
    %reduce_max3A_58 = arith.constant true
    %reduce_max3A_59 = vector.broadcast %reduce_max3A_58 : i1 to vector<16xi1>
    %reduce_max3A_60 = arith.constant -2147483648 : i32
    %reduce_max3A_61 = vector.broadcast %reduce_max3A_60 : i32 to vector<16xi32>
    %reduce_max3A_62 = arith.xori %gather3A_57, %reduce_max3A_61 : vector<16xi32>
    %reduce_max3A_63 = tpu.scan <max>, %reduce_max3A_62 masked %reduce_max3A_59 : vector<16xi32>, vector<16xi1> -> vector<16xi32>
    %reduce_max3A_64 = arith.xori %reduce_max3A_63, %reduce_max3A_61 : vector<16xi32>
    %reduce_max3A_65 = vector.extract %reduce_max3A_64[15] : i32 from vector<16xi32>
    %jit3A = arith.constant 16 : i32
    %div3A = arith.divsi %reduce_max3A_53, %jit3A : i32
    %sign3A = arith.constant 0 : i32
    %sign3A_66 = arith.cmpi sgt, %reduce_max3A_53, %sign3A : i32
    %sign3A_67 = arith.extui %sign3A_66 : i1 to i32
    %sign3A_68 = arith.constant 0 : i32
    %sign3A_69 = arith.cmpi slt, %reduce_max3A_53, %sign3A_68 : i32
    %sign3A_70 = arith.extui %sign3A_69 : i1 to i32
    %sign3A_71 = arith.subi %sign3A_67, %sign3A_70 : i32
    %sign3A_72 = arith.constant 0 : i32
    %sign3A_73 = arith.cmpi sgt, %jit3A, %sign3A_72 : i32
    %sign3A_74 = arith.extui %sign3A_73 : i1 to i32
    %sign3A_75 = arith.constant 0 : i32
    %sign3A_76 = arith.cmpi slt, %jit3A, %sign3A_75 : i32
    %sign3A_77 = arith.extui %sign3A_76 : i1 to i32
    %sign3A_78 = arith.subi %sign3A_74, %sign3A_77 : i32
    %ne3A = arith.cmpi ne, %sign3A_71, %sign3A_78 : i32
    %rem3A = arith.remsi %reduce_max3A_53, %jit3A : i32
    %ne3A_79 = arith.constant 0 : i32
    %ne3A_80 = arith.cmpi ne, %rem3A, %ne3A_79 : i32
    %and3A = arith.andi %ne3A, %ne3A_80 : i1
    %sub3A_81 = arith.constant 1 : i32
    %sub3A_82 = arith.subi %div3A, %sub3A_81 : i32
    %select_n3A = arith.select %and3A, %sub3A_82, %div3A : i32
    %mul3A_83 = arith.constant 16 : i32
    %mul3A_84 = arith.muli %select_n3A, %mul3A_83 : i32
    %sub3A_85 = arith.subi %reduce_max3A_65, %mul3A_84 : i32
    %add3A_86 = arith.constant 8192 : i32
    %add3A_87 = arith.addi %sub3A_85, %add3A_86 : i32
    %sub3A_88 = arith.constant 1 : i32
    %sub3A_89 = arith.subi %add3A_87, %sub3A_88 : i32
    %jit3A_90 = arith.constant 8192 : i32
    %div3A_91 = arith.divsi %sub3A_89, %jit3A_90 : i32
    %sign3A_92 = arith.constant 0 : i32
    %sign3A_93 = arith.cmpi sgt, %sub3A_89, %sign3A_92 : i32
    %sign3A_94 = arith.extui %sign3A_93 : i1 to i32
    %sign3A_95 = arith.constant 0 : i32
    %sign3A_96 = arith.cmpi slt, %sub3A_89, %sign3A_95 : i32
    %sign3A_97 = arith.extui %sign3A_96 : i1 to i32
    %sign3A_98 = arith.subi %sign3A_94, %sign3A_97 : i32
    %sign3A_99 = arith.constant 0 : i32
    %sign3A_100 = arith.cmpi sgt, %jit3A_90, %sign3A_99 : i32
    %sign3A_101 = arith.extui %sign3A_100 : i1 to i32
    %sign3A_102 = arith.constant 0 : i32
    %sign3A_103 = arith.cmpi slt, %jit3A_90, %sign3A_102 : i32
    %sign3A_104 = arith.extui %sign3A_103 : i1 to i32
    %sign3A_105 = arith.subi %sign3A_101, %sign3A_104 : i32
    %ne3A_106 = arith.cmpi ne, %sign3A_98, %sign3A_105 : i32
    %rem3A_107 = arith.remsi %sub3A_89, %jit3A_90 : i32
    %ne3A_108 = arith.constant 0 : i32
    %ne3A_109 = arith.cmpi ne, %rem3A_107, %ne3A_108 : i32
    %and3A_110 = arith.andi %ne3A_106, %ne3A_109 : i1
    %sub3A_111 = arith.constant 1 : i32
    %sub3A_112 = arith.subi %div3A_91, %sub3A_111 : i32
    %select_n3A_113 = arith.select %and3A_110, %sub3A_112, %div3A_91 : i32
    %while3A = arith.constant 0 : i32
    %while3A_114 = arith.constant 0 : i32
    %while3A_115 = arith.subi %select_n3A_113, %while3A : i32
    %while3A_116 = arith.addi %while3A, %while3A_115 : i32
    %while3A_117 = arith.constant 1 : i32
    %while3A_118 = arith.divsi %while3A_115, %while3A_117 : i32
    %while3A_119 = arith.muli %while3A_118, %while3A_117 : i32
    %while3A_120 = arith.addi %while3A, %while3A_119 : i32
    %while3A_121 = arith.constant 1 : i32
    %while3A_122 = scf.for %while3A_132 = %while3A to %while3A_120 step %while3A_121 iter_args(%while3A_133 = %while3A_114) -> (i32)  : i32 {
      %mul3A_134 = arith.constant 8192 : i32
      %mul3A_135 = arith.muli %while3A_132, %mul3A_134 : i32
      %add3A_136 = arith.addi %mul3A_84, %mul3A_135 : i32
      "tpu.region"() ({
        %run_scoped3A = tpu.sem_alloc : memref<!tpu.dma_semaphore, #tpu.memory_space<semaphore_mem>>
        %dma_start3A = tpu.memref_slice %arg2[%add3A_136] : memref<6408192xf32, #tpu.memory_space<hbm>> -> memref<8192xf32, #tpu.memory_space<hbm>>
        %dma_start3A_145 = tpu.memref_slice %arg2[%add3A_136] : memref<6408192xf32, #tpu.memory_space<hbm>> -> memref<8192xf32, #tpu.memory_space<hbm>>
        tpu.enqueue_dma source(%dma_start3A_145 : memref<8192xf32, #tpu.memory_space<hbm>>) target(%arg10 : memref<8192xf32, #tpu.memory_space<vmem>>) target_semaphore(%run_scoped3A : memref<!tpu.dma_semaphore, #tpu.memory_space<semaphore_mem>>)
        %dma_wait3A = tpu.memref_slice %arg2[%add3A_136] : memref<6408192xf32, #tpu.memory_space<hbm>> -> memref<8192xf32, #tpu.memory_space<hbm>>
        %dma_wait3A_146 = tpu.memref_slice %arg2[%add3A_136] : memref<6408192xf32, #tpu.memory_space<hbm>> -> memref<8192xf32, #tpu.memory_space<hbm>>
        tpu.wait_dma2 semaphore(%run_scoped3A : memref<!tpu.dma_semaphore, #tpu.memory_space<semaphore_mem>>) src(%dma_wait3A_146 : memref<8192xf32, #tpu.memory_space<hbm>>) dst(%arg10 : memref<8192xf32, #tpu.memory_space<vmem>>)
        tpu.yield
      }) : () -> ()
      "tpu.region"() ({
        %run_scoped3A = tpu.sem_alloc : memref<!tpu.dma_semaphore, #tpu.memory_space<semaphore_mem>>
        %dma_start3A = tpu.memref_slice %arg3[%add3A_136] : memref<6408192xi32, #tpu.memory_space<hbm>> -> memref<8192xi32, #tpu.memory_space<hbm>>
        %dma_start3A_145 = tpu.memref_slice %arg3[%add3A_136] : memref<6408192xi32, #tpu.memory_space<hbm>> -> memref<8192xi32, #tpu.memory_space<hbm>>
        tpu.enqueue_dma source(%dma_start3A_145 : memref<8192xi32, #tpu.memory_space<hbm>>) target(%arg11 : memref<8192xi32, #tpu.memory_space<vmem>>) target_semaphore(%run_scoped3A : memref<!tpu.dma_semaphore, #tpu.memory_space<semaphore_mem>>)
        %dma_wait3A = tpu.memref_slice %arg3[%add3A_136] : memref<6408192xi32, #tpu.memory_space<hbm>> -> memref<8192xi32, #tpu.memory_space<hbm>>
        %dma_wait3A_146 = tpu.memref_slice %arg3[%add3A_136] : memref<6408192xi32, #tpu.memory_space<hbm>> -> memref<8192xi32, #tpu.memory_space<hbm>>
        tpu.wait_dma2 semaphore(%run_scoped3A : memref<!tpu.dma_semaphore, #tpu.memory_space<semaphore_mem>>) src(%dma_wait3A_146 : memref<8192xi32, #tpu.memory_space<hbm>>) dst(%arg11 : memref<8192xi32, #tpu.memory_space<vmem>>)
        tpu.yield
      }) : () -> ()
      %scan3A_137 = arith.constant 0 : i32
      %scan3A_138 = arith.constant 0 : i32
      %scan3A_139 = arith.constant 512 : i32
      %scan3A_140 = arith.addi %scan3A_138, %scan3A_139 : i32
      %scan3A_141 = arith.constant 1 : i32
      %scan3A_142 = scf.for %scan3A_145 = %scan3A_138 to %scan3A_140 step %scan3A_141 iter_args(%scan3A_146 = %scan3A_137) -> (i32)  : i32 {
        %mul3A_147 = arith.constant 16 : i32
        %mul3A_148 = arith.muli %scan3A_145, %mul3A_147 : i32
        %get3A = arith.index_cast %mul3A_148 : i32 to index
        %get3A_149 = tpu.vector_load %arg10[%get3A] {strides = array<i32>} : memref<8192xf32, #tpu.memory_space<vmem>>, vector<16xf32>,
        %get3A_150 = arith.index_cast %mul3A_148 : i32 to index
        %get3A_151 = tpu.vector_load %arg11[%get3A_150] {strides = array<i32>} : memref<8192xi32, #tpu.memory_space<vmem>>, vector<16xi32>,
        %mul3A_152 = arith.constant 16 : i32
        %mul3A_153 = arith.muli %scan3A_145, %mul3A_152 : i32
        %add3A_154 = arith.addi %add3A_136, %mul3A_153 : i32
        %add3A_155 = vector.broadcast %add3A_154 : i32 to vector<16xi32>
        %add3A_156 = arith.addi %add3A_155, %iota3A : vector<16xi32>
        %ge3A_157 = vector.broadcast %reduce_max3A_53 : i32 to vector<16xi32>
        %ge3A_158 = arith.cmpi sge, %add3A_156, %ge3A_157 : vector<16xi32>
        %lt3A = vector.broadcast %reduce_max3A_65 : i32 to vector<16xi32>
        %lt3A_159 = arith.cmpi slt, %add3A_156, %lt3A : vector<16xi32>
        %and3A_160 = arith.andi %ge3A_158, %lt3A_159 : vector<16xi1>
        %sub3A_161 = vector.broadcast %mul3A_2 : i32 to vector<16xi32>
        %sub3A_162 = arith.subi %get3A_151, %sub3A_161 : vector<16xi32>
        %jit3A_163 = arith.constant 0 : i32
        %jit3A_164 = arith.constant 3135 : i32
        %max3A_165 = vector.broadcast %jit3A_163 : i32 to vector<16xi32>
        %max3A_166 = arith.maxsi %max3A_165, %sub3A_162 : vector<16xi32>
        %min3A_167 = vector.broadcast %jit3A_164 : i32 to vector<16xi32>
        %min3A_168 = arith.minsi %min3A_167, %max3A_166 : vector<16xi32>
        %reshape3A = vector.shape_cast %min3A_7 : vector<16xi32> to vector<16x1xi32>
        %gather3A_169 = vector.shape_cast %reshape3A : vector<16x1xi32> to vector<16xi32>
        %gather3A_170 = tpu.dynamic_gather %get3A_151[%gather3A_169] in [0] : vector<16xi32>, vector<16xi32> -> vector<16xi32>
        %ne3A_171 = arith.cmpi ne, %get3A_151, %gather3A_170 : vector<16xi32>
        %eq3A = arith.constant 15 : i32
        %eq3A_172 = vector.broadcast %eq3A : i32 to vector<16xi32>
        %eq3A_173 = arith.cmpi eq, %iota3A, %eq3A_172 : vector<16xi32>
        %or3A = arith.ori %ne3A_171, %eq3A_173 : vector<16xi1>
        %add3A_174 = arith.constant 1 : i32
        %add3A_175 = vector.broadcast %add3A_174 : i32 to vector<16xi32>
        %add3A_176 = arith.addi %add3A_156, %add3A_175 : vector<16xi32>
        %eq3A_177 = vector.broadcast %reduce_max3A_65 : i32 to vector<16xi32>
        %eq3A_178 = arith.cmpi eq, %add3A_176, %eq3A_177 : vector<16xi32>
        %or3A_179 = arith.ori %or3A, %eq3A_178 : vector<16xi1>
        %and3A_180 = arith.andi %or3A_179, %and3A_160 : vector<16xi1>
        %reshape3A_181 = vector.shape_cast %max3A_11 : vector<16xi32> to vector<16x1xi32>
        %gather3A_182 = vector.shape_cast %reshape3A_181 : vector<16x1xi32> to vector<16xi32>
        %gather3A_183 = tpu.dynamic_gather %get3A_151[%gather3A_182] in [0] : vector<16xi32>, vector<16xi32> -> vector<16xi32>
        %eq3A_184 = arith.cmpi eq, %get3A_151, %gather3A_183 : vector<16xi32>
        %and3A_185 = arith.andi %eq3A_184, %ge3A_31 : vector<16xi1>
        %reshape3A_186 = vector.shape_cast %max3A_17 : vector<16xi32> to vector<16x1xi32>
        %gather3A_187 = vector.shape_cast %reshape3A_186 : vector<16x1xi32> to vector<16xi32>
        %gather3A_188 = tpu.dynamic_gather %get3A_151[%gather3A_187] in [0] : vector<16xi32>, vector<16xi32> -> vector<16xi32>
        %eq3A_189 = arith.cmpi eq, %get3A_151, %gather3A_188 : vector<16xi32>
        %and3A_190 = arith.andi %eq3A_189, %ge3A_34 : vector<16xi1>
        %reshape3A_191 = vector.shape_cast %max3A_23 : vector<16xi32> to vector<16x1xi32>
        %gather3A_192 = vector.shape_cast %reshape3A_191 : vector<16x1xi32> to vector<16xi32>
        %gather3A_193 = tpu.dynamic_gather %get3A_151[%gather3A_192] in [0] : vector<16xi32>, vector<16xi32> -> vector<16xi32>
        %eq3A_194 = arith.cmpi eq, %get3A_151, %gather3A_193 : vector<16xi32>
        %and3A_195 = arith.andi %eq3A_194, %ge3A_37 : vector<16xi1>
        %reshape3A_196 = vector.shape_cast %max3A_29 : vector<16xi32> to vector<16x1xi32>
        %gather3A_197 = vector.shape_cast %reshape3A_196 : vector<16x1xi32> to vector<16xi32>
        %gather3A_198 = tpu.dynamic_gather %get3A_151[%gather3A_197] in [0] : vector<16xi32>, vector<16xi32> -> vector<16xi32>
        %eq3A_199 = arith.cmpi eq, %get3A_151, %gather3A_198 : vector<16xi32>
        %and3A_200 = arith.andi %eq3A_199, %ge3A_40 : vector<16xi1>
        %reshape3A_201 = vector.shape_cast %max3A_11 : vector<16xi32> to vector<16x1xi32>
        %gather3A_202 = vector.shape_cast %reshape3A_201 : vector<16x1xi32> to vector<16xi32>
        %gather3A_203 = tpu.dynamic_gather %get3A_149[%gather3A_202] in [0] : vector<16xf32>, vector<16xi32> -> vector<16xf32>
        %max3A_204 = arith.maximumf %get3A_149, %gather3A_203 : vector<16xf32>
        %select_n3A_205 = arith.select %and3A_185, %max3A_204, %get3A_149 : vector<16xi1>, vector<16xf32>
        %reshape3A_206 = vector.shape_cast %max3A_17 : vector<16xi32> to vector<16x1xi32>
        %gather3A_207 = vector.shape_cast %reshape3A_206 : vector<16x1xi32> to vector<16xi32>
        %gather3A_208 = tpu.dynamic_gather %select_n3A_205[%gather3A_207] in [0] : vector<16xf32>, vector<16xi32> -> vector<16xf32>
        %max3A_209 = arith.maximumf %select_n3A_205, %gather3A_208 : vector<16xf32>
        %select_n3A_210 = arith.select %and3A_190, %max3A_209, %select_n3A_205 : vector<16xi1>, vector<16xf32>
        %reshape3A_211 = vector.shape_cast %max3A_23 : vector<16xi32> to vector<16x1xi32>
        %gather3A_212 = vector.shape_cast %reshape3A_211 : vector<16x1xi32> to vector<16xi32>
        %gather3A_213 = tpu.dynamic_gather %select_n3A_210[%gather3A_212] in [0] : vector<16xf32>, vector<16xi32> -> vector<16xf32>
        %max3A_214 = arith.maximumf %select_n3A_210, %gather3A_213 : vector<16xf32>
        %select_n3A_215 = arith.select %and3A_195, %max3A_214, %select_n3A_210 : vector<16xi1>, vector<16xf32>
        %reshape3A_216 = vector.shape_cast %max3A_29 : vector<16xi32> to vector<16x1xi32>
        %gather3A_217 = vector.shape_cast %reshape3A_216 : vector<16x1xi32> to vector<16xi32>
        %gather3A_218 = tpu.dynamic_gather %select_n3A_215[%gather3A_217] in [0] : vector<16xf32>, vector<16xi32> -> vector<16xf32>
        %max3A_219 = arith.maximumf %select_n3A_215, %gather3A_218 : vector<16xf32>
        %select_n3A_220 = arith.select %and3A_200, %max3A_219, %select_n3A_215 : vector<16xi1>, vector<16xf32>
        %gather3A_221 = tpu.vector_load_idx %arg14[%min3A_168] : memref<3136xf32, #tpu.memory_space<vmem>>[vector<16xi32>], vector<16xf32>,
        %max3A_222 = arith.maximumf %select_n3A_220, %gather3A_221 : vector<16xf32>
        tpu.vector_store_idx %arg14[%min3A_168], %max3A_222 masked %and3A_180 : memref<3136xf32, #tpu.memory_space<vmem>>[vector<16xi32>], vector<16xf32>, vector<16xi1>
        %reshape3A_223 = vector.shape_cast %max3A_11 : vector<16xi32> to vector<16x1xi32>
        %gather3A_224 = vector.shape_cast %reshape3A_223 : vector<16x1xi32> to vector<16xi32>
        %gather3A_225 = tpu.dynamic_gather %get3A_149[%gather3A_224] in [0] : vector<16xf32>, vector<16xi32> -> vector<16xf32>
        %add3A_226 = arith.addf %get3A_149, %gather3A_225 : vector<16xf32>
        %select_n3A_227 = arith.select %and3A_185, %add3A_226, %get3A_149 : vector<16xi1>, vector<16xf32>
        %reshape3A_228 = vector.shape_cast %max3A_17 : vector<16xi32> to vector<16x1xi32>
        %gather3A_229 = vector.shape_cast %reshape3A_228 : vector<16x1xi32> to vector<16xi32>
        %gather3A_230 = tpu.dynamic_gather %select_n3A_227[%gather3A_229] in [0] : vector<16xf32>, vector<16xi32> -> vector<16xf32>
        %add3A_231 = arith.addf %select_n3A_227, %gather3A_230 : vector<16xf32>
        %select_n3A_232 = arith.select %and3A_190, %add3A_231, %select_n3A_227 : vector<16xi1>, vector<16xf32>
        %reshape3A_233 = vector.shape_cast %max3A_23 : vector<16xi32> to vector<16x1xi32>
        %gather3A_234 = vector.shape_cast %reshape3A_233 : vector<16x1xi32> to vector<16xi32>
        %gather3A_235 = tpu.dynamic_gather %select_n3A_232[%gather3A_234] in [0] : vector<16xf32>, vector<16xi32> -> vector<16xf32>
        %add3A_236 = arith.addf %select_n3A_232, %gather3A_235 : vector<16xf32>
        %select_n3A_237 = arith.select %and3A_195, %add3A_236, %select_n3A_232 : vector<16xi1>, vector<16xf32>
        %reshape3A_238 = vector.shape_cast %max3A_29 : vector<16xi32> to vector<16x1xi32>
        %gather3A_239 = vector.shape_cast %reshape3A_238 : vector<16x1xi32> to vector<16xi32>
        %gather3A_240 = tpu.dynamic_gather %select_n3A_237[%gather3A_239] in [0] : vector<16xf32>, vector<16xi32> -> vector<16xf32>
        %add3A_241 = arith.addf %select_n3A_237, %gather3A_240 : vector<16xf32>
        %select_n3A_242 = arith.select %and3A_200, %add3A_241, %select_n3A_237 : vector<16xi1>, vector<16xf32>
        %gather3A_243 = tpu.vector_load_idx %arg15[%min3A_168] : memref<3136xf32, #tpu.memory_space<vmem>>[vector<16xi32>], vector<16xf32>,
        %add3A_244 = arith.addf %select_n3A_242, %gather3A_243 : vector<16xf32>
        tpu.vector_store_idx %arg15[%min3A_168], %add3A_244 masked %and3A_180 : memref<3136xf32, #tpu.memory_space<vmem>>[vector<16xi32>], vector<16xf32>, vector<16xi1>
        %reshape3A_245 = vector.shape_cast %max3A_11 : vector<16xi32> to vector<16x1xi32>
        %gather3A_246 = vector.shape_cast %reshape3A_245 : vector<16x1xi32> to vector<16xi32>
        %gather3A_247 = tpu.dynamic_gather %get3A_149[%gather3A_246] in [0] : vector<16xf32>, vector<16xi32> -> vector<16xf32>
        %min3A_248 = arith.minimumf %get3A_149, %gather3A_247 : vector<16xf32>
        %select_n3A_249 = arith.select %and3A_185, %min3A_248, %get3A_149 : vector<16xi1>, vector<16xf32>
        %reshape3A_250 = vector.shape_cast %max3A_17 : vector<16xi32> to vector<16x1xi32>
        %gather3A_251 = vector.shape_cast %reshape3A_250 : vector<16x1xi32> to vector<16xi32>
        %gather3A_252 = tpu.dynamic_gather %select_n3A_249[%gather3A_251] in [0] : vector<16xf32>, vector<16xi32> -> vector<16xf32>
        %min3A_253 = arith.minimumf %select_n3A_249, %gather3A_252 : vector<16xf32>
        %select_n3A_254 = arith.select %and3A_190, %min3A_253, %select_n3A_249 : vector<16xi1>, vector<16xf32>
        %reshape3A_255 = vector.shape_cast %max3A_23 : vector<16xi32> to vector<16x1xi32>
        %gather3A_256 = vector.shape_cast %reshape3A_255 : vector<16x1xi32> to vector<16xi32>
        %gather3A_257 = tpu.dynamic_gather %select_n3A_254[%gather3A_256] in [0] : vector<16xf32>, vector<16xi32> -> vector<16xf32>
        %min3A_258 = arith.minimumf %select_n3A_254, %gather3A_257 : vector<16xf32>
        %select_n3A_259 = arith.select %and3A_195, %min3A_258, %select_n3A_254 : vector<16xi1>, vector<16xf32>
        %reshape3A_260 = vector.shape_cast %max3A_29 : vector<16xi32> to vector<16x1xi32>
        %gather3A_261 = vector.shape_cast %reshape3A_260 : vector<16x1xi32> to vector<16xi32>
        %gather3A_262 = tpu.dynamic_gather %select_n3A_259[%gather3A_261] in [0] : vector<16xf32>, vector<16xi32> -> vector<16xf32>
        %min3A_263 = arith.minimumf %select_n3A_259, %gather3A_262 : vector<16xf32>
        %select_n3A_264 = arith.select %and3A_200, %min3A_263, %select_n3A_259 : vector<16xi1>, vector<16xf32>
        %gather3A_265 = tpu.vector_load_idx %arg16[%min3A_168] : memref<3136xf32, #tpu.memory_space<vmem>>[vector<16xi32>], vector<16xf32>,
        %min3A_266 = arith.minimumf %select_n3A_264, %gather3A_265 : vector<16xf32>
        tpu.vector_store_idx %arg16[%min3A_168], %min3A_266 masked %and3A_180 : memref<3136xf32, #tpu.memory_space<vmem>>[vector<16xi32>], vector<16xf32>, vector<16xi1>
        %reshape3A_267 = vector.shape_cast %max3A_11 : vector<16xi32> to vector<16x1xi32>
        %gather3A_268 = vector.shape_cast %reshape3A_267 : vector<16x1xi32> to vector<16xi32>
        %gather3A_269 = tpu.dynamic_gather %get3A_149[%gather3A_268] in [0] : vector<16xf32>, vector<16xi32> -> vector<16xf32>
        %mul3A_270 = arith.mulf %get3A_149, %gather3A_269 : vector<16xf32>
        %select_n3A_271 = arith.select %and3A_185, %mul3A_270, %get3A_149 : vector<16xi1>, vector<16xf32>
        %reshape3A_272 = vector.shape_cast %max3A_17 : vector<16xi32> to vector<16x1xi32>
        %gather3A_273 = vector.shape_cast %reshape3A_272 : vector<16x1xi32> to vector<16xi32>
        %gather3A_274 = tpu.dynamic_gather %select_n3A_271[%gather3A_273] in [0] : vector<16xf32>, vector<16xi32> -> vector<16xf32>
        %mul3A_275 = arith.mulf %select_n3A_271, %gather3A_274 : vector<16xf32>
        %select_n3A_276 = arith.select %and3A_190, %mul3A_275, %select_n3A_271 : vector<16xi1>, vector<16xf32>
        %reshape3A_277 = vector.shape_cast %max3A_23 : vector<16xi32> to vector<16x1xi32>
        %gather3A_278 = vector.shape_cast %reshape3A_277 : vector<16x1xi32> to vector<16xi32>
        %gather3A_279 = tpu.dynamic_gather %select_n3A_276[%gather3A_278] in [0] : vector<16xf32>, vector<16xi32> -> vector<16xf32>
        %mul3A_280 = arith.mulf %select_n3A_276, %gather3A_279 : vector<16xf32>
        %select_n3A_281 = arith.select %and3A_195, %mul3A_280, %select_n3A_276 : vector<16xi1>, vector<16xf32>
        %reshape3A_282 = vector.shape_cast %max3A_29 : vector<16xi32> to vector<16x1xi32>
        %gather3A_283 = vector.shape_cast %reshape3A_282 : vector<16x1xi32> to vector<16xi32>
        %gather3A_284 = tpu.dynamic_gather %select_n3A_281[%gather3A_283] in [0] : vector<16xf32>, vector<16xi32> -> vector<16xf32>
        %mul3A_285 = arith.mulf %select_n3A_281, %gather3A_284 : vector<16xf32>
        %select_n3A_286 = arith.select %and3A_200, %mul3A_285, %select_n3A_281 : vector<16xi1>, vector<16xf32>
        %gather3A_287 = tpu.vector_load_idx %arg17[%min3A_168] : memref<3136xf32, #tpu.memory_space<vmem>>[vector<16xi32>], vector<16xf32>,
        %mul3A_288 = arith.mulf %select_n3A_286, %gather3A_287 : vector<16xf32>
        tpu.vector_store_idx %arg17[%min3A_168], %mul3A_288 masked %and3A_180 : memref<3136xf32, #tpu.memory_space<vmem>>[vector<16xi32>], vector<16xf32>, vector<16xi1>
        %scan3A_289 = arith.constant 0 : i32
        scf.yield %scan3A_289 : i32
      }
      %scan3A_143 = arith.constant 512 : i32
      %while3A_144 = arith.constant 0 : i32
      scf.yield %while3A_144 : i32
    }
    %while3A_123 = arith.constant 1 : i32
    %while3A_124 = scf.for %while3A_132 = %while3A_120 to %while3A_116 step %while3A_123 iter_args(%while3A_133 = %while3A_122) -> (i32)  : i32 {
      %mul3A_134 = arith.constant 8192 : i32
      %mul3A_135 = arith.muli %while3A_132, %mul3A_134 : i32
      %add3A_136 = arith.addi %mul3A_84, %mul3A_135 : i32
      "tpu.region"() ({
        %run_scoped3A = tpu.sem_alloc : memref<!tpu.dma_semaphore, #tpu.memory_space<semaphore_mem>>
        %dma_start3A = tpu.memref_slice %arg2[%add3A_136] : memref<6408192xf32, #tpu.memory_space<hbm>> -> memref<8192xf32, #tpu.memory_space<hbm>>
        %dma_start3A_145 = tpu.memref_slice %arg2[%add3A_136] : memref<6408192xf32, #tpu.memory_space<hbm>> -> memref<8192xf32, #tpu.memory_space<hbm>>
        tpu.enqueue_dma source(%dma_start3A_145 : memref<8192xf32, #tpu.memory_space<hbm>>) target(%arg10 : memref<8192xf32, #tpu.memory_space<vmem>>) target_semaphore(%run_scoped3A : memref<!tpu.dma_semaphore, #tpu.memory_space<semaphore_mem>>)
        %dma_wait3A = tpu.memref_slice %arg2[%add3A_136] : memref<6408192xf32, #tpu.memory_space<hbm>> -> memref<8192xf32, #tpu.memory_space<hbm>>
        %dma_wait3A_146 = tpu.memref_slice %arg2[%add3A_136] : memref<6408192xf32, #tpu.memory_space<hbm>> -> memref<8192xf32, #tpu.memory_space<hbm>>
        tpu.wait_dma2 semaphore(%run_scoped3A : memref<!tpu.dma_semaphore, #tpu.memory_space<semaphore_mem>>) src(%dma_wait3A_146 : memref<8192xf32, #tpu.memory_space<hbm>>) dst(%arg10 : memref<8192xf32, #tpu.memory_space<vmem>>)
        tpu.yield
      }) : () -> ()
      "tpu.region"() ({
        %run_scoped3A = tpu.sem_alloc : memref<!tpu.dma_semaphore, #tpu.memory_space<semaphore_mem>>
        %dma_start3A = tpu.memref_slice %arg3[%add3A_136] : memref<6408192xi32, #tpu.memory_space<hbm>> -> memref<8192xi32, #tpu.memory_space<hbm>>
        %dma_start3A_145 = tpu.memref_slice %arg3[%add3A_136] : memref<6408192xi32, #tpu.memory_space<hbm>> -> memref<8192xi32, #tpu.memory_space<hbm>>
        tpu.enqueue_dma source(%dma_start3A_145 : memref<8192xi32, #tpu.memory_space<hbm>>) target(%arg11 : memref<8192xi32, #tpu.memory_space<vmem>>) target_semaphore(%run_scoped3A : memref<!tpu.dma_semaphore, #tpu.memory_space<semaphore_mem>>)
        %dma_wait3A = tpu.memref_slice %arg3[%add3A_136] : memref<6408192xi32, #tpu.memory_space<hbm>> -> memref<8192xi32, #tpu.memory_space<hbm>>
        %dma_wait3A_146 = tpu.memref_slice %arg3[%add3A_136] : memref<6408192xi32, #tpu.memory_space<hbm>> -> memref<8192xi32, #tpu.memory_space<hbm>>
        tpu.wait_dma2 semaphore(%run_scoped3A : memref<!tpu.dma_semaphore, #tpu.memory_space<semaphore_mem>>) src(%dma_wait3A_146 : memref<8192xi32, #tpu.memory_space<hbm>>) dst(%arg11 : memref<8192xi32, #tpu.memory_space<vmem>>)
        tpu.yield
      }) : () -> ()
      %scan3A_137 = arith.constant 0 : i32
      %scan3A_138 = arith.constant 0 : i32
      %scan3A_139 = arith.constant 512 : i32
      %scan3A_140 = arith.addi %scan3A_138, %scan3A_139 : i32
      %scan3A_141 = arith.constant 1 : i32
      %scan3A_142 = scf.for %scan3A_145 = %scan3A_138 to %scan3A_140 step %scan3A_141 iter_args(%scan3A_146 = %scan3A_137) -> (i32)  : i32 {
        %mul3A_147 = arith.constant 16 : i32
        %mul3A_148 = arith.muli %scan3A_145, %mul3A_147 : i32
        %get3A = arith.index_cast %mul3A_148 : i32 to index
        %get3A_149 = tpu.vector_load %arg10[%get3A] {strides = array<i32>} : memref<8192xf32, #tpu.memory_space<vmem>>, vector<16xf32>,
        %get3A_150 = arith.index_cast %mul3A_148 : i32 to index
        %get3A_151 = tpu.vector_load %arg11[%get3A_150] {strides = array<i32>} : memref<8192xi32, #tpu.memory_space<vmem>>, vector<16xi32>,
        %mul3A_152 = arith.constant 16 : i32
        %mul3A_153 = arith.muli %scan3A_145, %mul3A_152 : i32
        %add3A_154 = arith.addi %add3A_136, %mul3A_153 : i32
        %add3A_155 = vector.broadcast %add3A_154 : i32 to vector<16xi32>
        %add3A_156 = arith.addi %add3A_155, %iota3A : vector<16xi32>
        %ge3A_157 = vector.broadcast %reduce_max3A_53 : i32 to vector<16xi32>
        %ge3A_158 = arith.cmpi sge, %add3A_156, %ge3A_157 : vector<16xi32>
        %lt3A = vector.broadcast %reduce_max3A_65 : i32 to vector<16xi32>
        %lt3A_159 = arith.cmpi slt, %add3A_156, %lt3A : vector<16xi32>
        %and3A_160 = arith.andi %ge3A_158, %lt3A_159 : vector<16xi1>
        %sub3A_161 = vector.broadcast %mul3A_2 : i32 to vector<16xi32>
        %sub3A_162 = arith.subi %get3A_151, %sub3A_161 : vector<16xi32>
        %jit3A_163 = arith.constant 0 : i32
        %jit3A_164 = arith.constant 3135 : i32
        %max3A_165 = vector.broadcast %jit3A_163 : i32 to vector<16xi32>
        %max3A_166 = arith.maxsi %max3A_165, %sub3A_162 : vector<16xi32>
        %min3A_167 = vector.broadcast %jit3A_164 : i32 to vector<16xi32>
        %min3A_168 = arith.minsi %min3A_167, %max3A_166 : vector<16xi32>
        %reshape3A = vector.shape_cast %min3A_7 : vector<16xi32> to vector<16x1xi32>
        %gather3A_169 = vector.shape_cast %reshape3A : vector<16x1xi32> to vector<16xi32>
        %gather3A_170 = tpu.dynamic_gather %get3A_151[%gather3A_169] in [0] : vector<16xi32>, vector<16xi32> -> vector<16xi32>
        %ne3A_171 = arith.cmpi ne, %get3A_151, %gather3A_170 : vector<16xi32>
        %eq3A = arith.constant 15 : i32
        %eq3A_172 = vector.broadcast %eq3A : i32 to vector<16xi32>
        %eq3A_173 = arith.cmpi eq, %iota3A, %eq3A_172 : vector<16xi32>
        %or3A = arith.ori %ne3A_171, %eq3A_173 : vector<16xi1>
        %add3A_174 = arith.constant 1 : i32
        %add3A_175 = vector.broadcast %add3A_174 : i32 to vector<16xi32>
        %add3A_176 = arith.addi %add3A_156, %add3A_175 : vector<16xi32>
        %eq3A_177 = vector.broadcast %reduce_max3A_65 : i32 to vector<16xi32>
        %eq3A_178 = arith.cmpi eq, %add3A_176, %eq3A_177 : vector<16xi32>
        %or3A_179 = arith.ori %or3A, %eq3A_178 : vector<16xi1>
        %and3A_180 = arith.andi %or3A_179, %and3A_160 : vector<16xi1>
        %reshape3A_181 = vector.shape_cast %max3A_11 : vector<16xi32> to vector<16x1xi32>
        %gather3A_182 = vector.shape_cast %reshape3A_181 : vector<16x1xi32> to vector<16xi32>
        %gather3A_183 = tpu.dynamic_gather %get3A_151[%gather3A_182] in [0] : vector<16xi32>, vector<16xi32> -> vector<16xi32>
        %eq3A_184 = arith.cmpi eq, %get3A_151, %gather3A_183 : vector<16xi32>
        %and3A_185 = arith.andi %eq3A_184, %ge3A_31 : vector<16xi1>
        %reshape3A_186 = vector.shape_cast %max3A_17 : vector<16xi32> to vector<16x1xi32>
        %gather3A_187 = vector.shape_cast %reshape3A_186 : vector<16x1xi32> to vector<16xi32>
        %gather3A_188 = tpu.dynamic_gather %get3A_151[%gather3A_187] in [0] : vector<16xi32>, vector<16xi32> -> vector<16xi32>
        %eq3A_189 = arith.cmpi eq, %get3A_151, %gather3A_188 : vector<16xi32>
        %and3A_190 = arith.andi %eq3A_189, %ge3A_34 : vector<16xi1>
        %reshape3A_191 = vector.shape_cast %max3A_23 : vector<16xi32> to vector<16x1xi32>
        %gather3A_192 = vector.shape_cast %reshape3A_191 : vector<16x1xi32> to vector<16xi32>
        %gather3A_193 = tpu.dynamic_gather %get3A_151[%gather3A_192] in [0] : vector<16xi32>, vector<16xi32> -> vector<16xi32>
        %eq3A_194 = arith.cmpi eq, %get3A_151, %gather3A_193 : vector<16xi32>
        %and3A_195 = arith.andi %eq3A_194, %ge3A_37 : vector<16xi1>
        %reshape3A_196 = vector.shape_cast %max3A_29 : vector<16xi32> to vector<16x1xi32>
        %gather3A_197 = vector.shape_cast %reshape3A_196 : vector<16x1xi32> to vector<16xi32>
        %gather3A_198 = tpu.dynamic_gather %get3A_151[%gather3A_197] in [0] : vector<16xi32>, vector<16xi32> -> vector<16xi32>
        %eq3A_199 = arith.cmpi eq, %get3A_151, %gather3A_198 : vector<16xi32>
        %and3A_200 = arith.andi %eq3A_199, %ge3A_40 : vector<16xi1>
        %reshape3A_201 = vector.shape_cast %max3A_11 : vector<16xi32> to vector<16x1xi32>
        %gather3A_202 = vector.shape_cast %reshape3A_201 : vector<16x1xi32> to vector<16xi32>
        %gather3A_203 = tpu.dynamic_gather %get3A_149[%gather3A_202] in [0] : vector<16xf32>, vector<16xi32> -> vector<16xf32>
        %max3A_204 = arith.maximumf %get3A_149, %gather3A_203 : vector<16xf32>
        %select_n3A_205 = arith.select %and3A_185, %max3A_204, %get3A_149 : vector<16xi1>, vector<16xf32>
        %reshape3A_206 = vector.shape_cast %max3A_17 : vector<16xi32> to vector<16x1xi32>
        %gather3A_207 = vector.shape_cast %reshape3A_206 : vector<16x1xi32> to vector<16xi32>
        %gather3A_208 = tpu.dynamic_gather %select_n3A_205[%gather3A_207] in [0] : vector<16xf32>, vector<16xi32> -> vector<16xf32>
        %max3A_209 = arith.maximumf %select_n3A_205, %gather3A_208 : vector<16xf32>
        %select_n3A_210 = arith.select %and3A_190, %max3A_209, %select_n3A_205 : vector<16xi1>, vector<16xf32>
        %reshape3A_211 = vector.shape_cast %max3A_23 : vector<16xi32> to vector<16x1xi32>
        %gather3A_212 = vector.shape_cast %reshape3A_211 : vector<16x1xi32> to vector<16xi32>
        %gather3A_213 = tpu.dynamic_gather %select_n3A_210[%gather3A_212] in [0] : vector<16xf32>, vector<16xi32> -> vector<16xf32>
        %max3A_214 = arith.maximumf %select_n3A_210, %gather3A_213 : vector<16xf32>
        %select_n3A_215 = arith.select %and3A_195, %max3A_214, %select_n3A_210 : vector<16xi1>, vector<16xf32>
        %reshape3A_216 = vector.shape_cast %max3A_29 : vector<16xi32> to vector<16x1xi32>
        %gather3A_217 = vector.shape_cast %reshape3A_216 : vector<16x1xi32> to vector<16xi32>
        %gather3A_218 = tpu.dynamic_gather %select_n3A_215[%gather3A_217] in [0] : vector<16xf32>, vector<16xi32> -> vector<16xf32>
        %max3A_219 = arith.maximumf %select_n3A_215, %gather3A_218 : vector<16xf32>
        %select_n3A_220 = arith.select %and3A_200, %max3A_219, %select_n3A_215 : vector<16xi1>, vector<16xf32>
        %gather3A_221 = tpu.vector_load_idx %arg14[%min3A_168] : memref<3136xf32, #tpu.memory_space<vmem>>[vector<16xi32>], vector<16xf32>,
        %max3A_222 = arith.maximumf %select_n3A_220, %gather3A_221 : vector<16xf32>
        tpu.vector_store_idx %arg14[%min3A_168], %max3A_222 masked %and3A_180 : memref<3136xf32, #tpu.memory_space<vmem>>[vector<16xi32>], vector<16xf32>, vector<16xi1>
        %reshape3A_223 = vector.shape_cast %max3A_11 : vector<16xi32> to vector<16x1xi32>
        %gather3A_224 = vector.shape_cast %reshape3A_223 : vector<16x1xi32> to vector<16xi32>
        %gather3A_225 = tpu.dynamic_gather %get3A_149[%gather3A_224] in [0] : vector<16xf32>, vector<16xi32> -> vector<16xf32>
        %add3A_226 = arith.addf %get3A_149, %gather3A_225 : vector<16xf32>
        %select_n3A_227 = arith.select %and3A_185, %add3A_226, %get3A_149 : vector<16xi1>, vector<16xf32>
        %reshape3A_228 = vector.shape_cast %max3A_17 : vector<16xi32> to vector<16x1xi32>
        %gather3A_229 = vector.shape_cast %reshape3A_228 : vector<16x1xi32> to vector<16xi32>
        %gather3A_230 = tpu.dynamic_gather %select_n3A_227[%gather3A_229] in [0] : vector<16xf32>, vector<16xi32> -> vector<16xf32>
        %add3A_231 = arith.addf %select_n3A_227, %gather3A_230 : vector<16xf32>
        %select_n3A_232 = arith.select %and3A_190, %add3A_231, %select_n3A_227 : vector<16xi1>, vector<16xf32>
        %reshape3A_233 = vector.shape_cast %max3A_23 : vector<16xi32> to vector<16x1xi32>
        %gather3A_234 = vector.shape_cast %reshape3A_233 : vector<16x1xi32> to vector<16xi32>
        %gather3A_235 = tpu.dynamic_gather %select_n3A_232[%gather3A_234] in [0] : vector<16xf32>, vector<16xi32> -> vector<16xf32>
        %add3A_236 = arith.addf %select_n3A_232, %gather3A_235 : vector<16xf32>
        %select_n3A_237 = arith.select %and3A_195, %add3A_236, %select_n3A_232 : vector<16xi1>, vector<16xf32>
        %reshape3A_238 = vector.shape_cast %max3A_29 : vector<16xi32> to vector<16x1xi32>
        %gather3A_239 = vector.shape_cast %reshape3A_238 : vector<16x1xi32> to vector<16xi32>
        %gather3A_240 = tpu.dynamic_gather %select_n3A_237[%gather3A_239] in [0] : vector<16xf32>, vector<16xi32> -> vector<16xf32>
        %add3A_241 = arith.addf %select_n3A_237, %gather3A_240 : vector<16xf32>
        %select_n3A_242 = arith.select %and3A_200, %add3A_241, %select_n3A_237 : vector<16xi1>, vector<16xf32>
        %gather3A_243 = tpu.vector_load_idx %arg15[%min3A_168] : memref<3136xf32, #tpu.memory_space<vmem>>[vector<16xi32>], vector<16xf32>,
        %add3A_244 = arith.addf %select_n3A_242, %gather3A_243 : vector<16xf32>
        tpu.vector_store_idx %arg15[%min3A_168], %add3A_244 masked %and3A_180 : memref<3136xf32, #tpu.memory_space<vmem>>[vector<16xi32>], vector<16xf32>, vector<16xi1>
        %reshape3A_245 = vector.shape_cast %max3A_11 : vector<16xi32> to vector<16x1xi32>
        %gather3A_246 = vector.shape_cast %reshape3A_245 : vector<16x1xi32> to vector<16xi32>
        %gather3A_247 = tpu.dynamic_gather %get3A_149[%gather3A_246] in [0] : vector<16xf32>, vector<16xi32> -> vector<16xf32>
        %min3A_248 = arith.minimumf %get3A_149, %gather3A_247 : vector<16xf32>
        %select_n3A_249 = arith.select %and3A_185, %min3A_248, %get3A_149 : vector<16xi1>, vector<16xf32>
        %reshape3A_250 = vector.shape_cast %max3A_17 : vector<16xi32> to vector<16x1xi32>
        %gather3A_251 = vector.shape_cast %reshape3A_250 : vector<16x1xi32> to vector<16xi32>
        %gather3A_252 = tpu.dynamic_gather %select_n3A_249[%gather3A_251] in [0] : vector<16xf32>, vector<16xi32> -> vector<16xf32>
        %min3A_253 = arith.minimumf %select_n3A_249, %gather3A_252 : vector<16xf32>
        %select_n3A_254 = arith.select %and3A_190, %min3A_253, %select_n3A_249 : vector<16xi1>, vector<16xf32>
        %reshape3A_255 = vector.shape_cast %max3A_23 : vector<16xi32> to vector<16x1xi32>
        %gather3A_256 = vector.shape_cast %reshape3A_255 : vector<16x1xi32> to vector<16xi32>
        %gather3A_257 = tpu.dynamic_gather %select_n3A_254[%gather3A_256] in [0] : vector<16xf32>, vector<16xi32> -> vector<16xf32>
        %min3A_258 = arith.minimumf %select_n3A_254, %gather3A_257 : vector<16xf32>
        %select_n3A_259 = arith.select %and3A_195, %min3A_258, %select_n3A_254 : vector<16xi1>, vector<16xf32>
        %reshape3A_260 = vector.shape_cast %max3A_29 : vector<16xi32> to vector<16x1xi32>
        %gather3A_261 = vector.shape_cast %reshape3A_260 : vector<16x1xi32> to vector<16xi32>
        %gather3A_262 = tpu.dynamic_gather %select_n3A_259[%gather3A_261] in [0] : vector<16xf32>, vector<16xi32> -> vector<16xf32>
        %min3A_263 = arith.minimumf %select_n3A_259, %gather3A_262 : vector<16xf32>
        %select_n3A_264 = arith.select %and3A_200, %min3A_263, %select_n3A_259 : vector<16xi1>, vector<16xf32>
        %gather3A_265 = tpu.vector_load_idx %arg16[%min3A_168] : memref<3136xf32, #tpu.memory_space<vmem>>[vector<16xi32>], vector<16xf32>,
        %min3A_266 = arith.minimumf %select_n3A_264, %gather3A_265 : vector<16xf32>
        tpu.vector_store_idx %arg16[%min3A_168], %min3A_266 masked %and3A_180 : memref<3136xf32, #tpu.memory_space<vmem>>[vector<16xi32>], vector<16xf32>, vector<16xi1>
        %reshape3A_267 = vector.shape_cast %max3A_11 : vector<16xi32> to vector<16x1xi32>
        %gather3A_268 = vector.shape_cast %reshape3A_267 : vector<16x1xi32> to vector<16xi32>
        %gather3A_269 = tpu.dynamic_gather %get3A_149[%gather3A_268] in [0] : vector<16xf32>, vector<16xi32> -> vector<16xf32>
        %mul3A_270 = arith.mulf %get3A_149, %gather3A_269 : vector<16xf32>
        %select_n3A_271 = arith.select %and3A_185, %mul3A_270, %get3A_149 : vector<16xi1>, vector<16xf32>
        %reshape3A_272 = vector.shape_cast %max3A_17 : vector<16xi32> to vector<16x1xi32>
        %gather3A_273 = vector.shape_cast %reshape3A_272 : vector<16x1xi32> to vector<16xi32>
        %gather3A_274 = tpu.dynamic_gather %select_n3A_271[%gather3A_273] in [0] : vector<16xf32>, vector<16xi32> -> vector<16xf32>
        %mul3A_275 = arith.mulf %select_n3A_271, %gather3A_274 : vector<16xf32>
        %select_n3A_276 = arith.select %and3A_190, %mul3A_275, %select_n3A_271 : vector<16xi1>, vector<16xf32>
        %reshape3A_277 = vector.shape_cast %max3A_23 : vector<16xi32> to vector<16x1xi32>
        %gather3A_278 = vector.shape_cast %reshape3A_277 : vector<16x1xi32> to vector<16xi32>
        %gather3A_279 = tpu.dynamic_gather %select_n3A_276[%gather3A_278] in [0] : vector<16xf32>, vector<16xi32> -> vector<16xf32>
        %mul3A_280 = arith.mulf %select_n3A_276, %gather3A_279 : vector<16xf32>
        %select_n3A_281 = arith.select %and3A_195, %mul3A_280, %select_n3A_276 : vector<16xi1>, vector<16xf32>
        %reshape3A_282 = vector.shape_cast %max3A_29 : vector<16xi32> to vector<16x1xi32>
        %gather3A_283 = vector.shape_cast %reshape3A_282 : vector<16x1xi32> to vector<16xi32>
        %gather3A_284 = tpu.dynamic_gather %select_n3A_281[%gather3A_283] in [0] : vector<16xf32>, vector<16xi32> -> vector<16xf32>
        %mul3A_285 = arith.mulf %select_n3A_281, %gather3A_284 : vector<16xf32>
        %select_n3A_286 = arith.select %and3A_200, %mul3A_285, %select_n3A_281 : vector<16xi1>, vector<16xf32>
        %gather3A_287 = tpu.vector_load_idx %arg17[%min3A_168] : memref<3136xf32, #tpu.memory_space<vmem>>[vector<16xi32>], vector<16xf32>,
        %mul3A_288 = arith.mulf %select_n3A_286, %gather3A_287 : vector<16xf32>
        tpu.vector_store_idx %arg17[%min3A_168], %mul3A_288 masked %and3A_180 : memref<3136xf32, #tpu.memory_space<vmem>>[vector<16xi32>], vector<16xf32>, vector<16xi1>
        %scan3A_289 = arith.constant 0 : i32
        scf.yield %scan3A_289 : i32
      }
      %scan3A_143 = arith.constant 512 : i32
      %while3A_144 = arith.constant 0 : i32
      scf.yield %while3A_144 : i32
    }
    "tpu.region"() ({
      %run_scoped3A = tpu.sem_alloc : memref<!tpu.dma_semaphore, #tpu.memory_space<semaphore_mem>>
      %dma_start3A = tpu.memref_slice %arg5[%mul3A_2] : memref<100352xf32, #tpu.memory_space<hbm>> -> memref<3136xf32, #tpu.memory_space<hbm>>
      %dma_start3A_132 = tpu.memref_slice %arg5[%mul3A_2] : memref<100352xf32, #tpu.memory_space<hbm>> -> memref<3136xf32, #tpu.memory_space<hbm>>
      tpu.enqueue_dma source(%dma_start3A_132 : memref<3136xf32, #tpu.memory_space<hbm>>) target(%arg13 : memref<3136xf32, #tpu.memory_space<vmem>>) target_semaphore(%run_scoped3A : memref<!tpu.dma_semaphore, #tpu.memory_space<semaphore_mem>>)
      %dma_wait3A = tpu.memref_slice %arg5[%mul3A_2] : memref<100352xf32, #tpu.memory_space<hbm>> -> memref<3136xf32, #tpu.memory_space<hbm>>
      %dma_wait3A_133 = tpu.memref_slice %arg5[%mul3A_2] : memref<100352xf32, #tpu.memory_space<hbm>> -> memref<3136xf32, #tpu.memory_space<hbm>>
      tpu.wait_dma2 semaphore(%run_scoped3A : memref<!tpu.dma_semaphore, #tpu.memory_space<semaphore_mem>>) src(%dma_wait3A_133 : memref<3136xf32, #tpu.memory_space<hbm>>) dst(%arg13 : memref<3136xf32, #tpu.memory_space<vmem>>)
      tpu.yield
    }) : () -> ()
    %scan3A_125 = arith.constant 0 : i32
    %scan3A_126 = arith.constant 0 : i32
    %scan3A_127 = arith.constant 196 : i32
    %scan3A_128 = arith.addi %scan3A_126, %scan3A_127 : i32
    %scan3A_129 = arith.constant 1 : i32
    %scan3A_130 = scf.for %scan3A_132 = %scan3A_126 to %scan3A_128 step %scan3A_129 iter_args(%scan3A_133 = %scan3A_125) -> (i32)  : i32 {
      %mul3A_134 = arith.constant 16 : i32
      %mul3A_135 = arith.muli %scan3A_132, %mul3A_134 : i32
      %get3A = arith.index_cast %mul3A_135 : i32 to index
      %get3A_136 = tpu.vector_load %arg13[%get3A] {strides = array<i32>} : memref<3136xf32, #tpu.memory_space<vmem>>, vector<16xf32>,
      %get3A_137 = arith.index_cast %mul3A_135 : i32 to index
      %get3A_138 = tpu.vector_load %arg14[%get3A_137] {strides = array<i32>} : memref<3136xf32, #tpu.memory_space<vmem>>, vector<16xf32>,
      %max3A_139 = arith.maximumf %get3A_136, %get3A_138 : vector<16xf32>
      %swap3A = arith.index_cast %mul3A_135 : i32 to index
      %swap3A_140 = tpu.vector_load %arg14[%swap3A] {strides = array<i32>} : memref<3136xf32, #tpu.memory_space<vmem>>, vector<16xf32>,
      tpu.vector_store %arg14[%swap3A], %max3A_139 {strides = array<i32>} : memref<3136xf32, #tpu.memory_space<vmem>>, vector<16xf32>,
      %get3A_141 = arith.index_cast %mul3A_135 : i32 to index
      %get3A_142 = tpu.vector_load %arg15[%get3A_141] {strides = array<i32>} : memref<3136xf32, #tpu.memory_space<vmem>>, vector<16xf32>,
      %add3A_143 = arith.addf %get3A_136, %get3A_142 : vector<16xf32>
      %swap3A_144 = arith.index_cast %mul3A_135 : i32 to index
      %swap3A_145 = tpu.vector_load %arg15[%swap3A_144] {strides = array<i32>} : memref<3136xf32, #tpu.memory_space<vmem>>, vector<16xf32>,
      tpu.vector_store %arg15[%swap3A_144], %add3A_143 {strides = array<i32>} : memref<3136xf32, #tpu.memory_space<vmem>>, vector<16xf32>,
      %get3A_146 = arith.index_cast %mul3A_135 : i32 to index
      %get3A_147 = tpu.vector_load %arg16[%get3A_146] {strides = array<i32>} : memref<3136xf32, #tpu.memory_space<vmem>>, vector<16xf32>,
      %min3A_148 = arith.minimumf %get3A_136, %get3A_147 : vector<16xf32>
      %swap3A_149 = arith.index_cast %mul3A_135 : i32 to index
      %swap3A_150 = tpu.vector_load %arg16[%swap3A_149] {strides = array<i32>} : memref<3136xf32, #tpu.memory_space<vmem>>, vector<16xf32>,
      tpu.vector_store %arg16[%swap3A_149], %min3A_148 {strides = array<i32>} : memref<3136xf32, #tpu.memory_space<vmem>>, vector<16xf32>,
      %get3A_151 = arith.index_cast %mul3A_135 : i32 to index
      %get3A_152 = tpu.vector_load %arg17[%get3A_151] {strides = array<i32>} : memref<3136xf32, #tpu.memory_space<vmem>>, vector<16xf32>,
      %mul3A_153 = arith.mulf %get3A_136, %get3A_152 : vector<16xf32>
      %swap3A_154 = arith.index_cast %mul3A_135 : i32 to index
      %swap3A_155 = tpu.vector_load %arg17[%swap3A_154] {strides = array<i32>} : memref<3136xf32, #tpu.memory_space<vmem>>, vector<16xf32>,
      tpu.vector_store %arg17[%swap3A_154], %mul3A_153 {strides = array<i32>} : memref<3136xf32, #tpu.memory_space<vmem>>, vector<16xf32>,
      %scan3A_156 = arith.constant 0 : i32
      scf.yield %scan3A_156 : i32
    }
    %scan3A_131 = arith.constant 196 : i32
    "tpu.region"() ({
      %run_scoped3A = tpu.sem_alloc : memref<!tpu.dma_semaphore, #tpu.memory_space<semaphore_mem>>
      %dma_start3A = tpu.memref_slice %arg6[%mul3A_2] : memref<100352xf32, #tpu.memory_space<hbm>> -> memref<3136xf32, #tpu.memory_space<hbm>>
      %dma_start3A_132 = tpu.memref_slice %arg6[%mul3A_2] : memref<100352xf32, #tpu.memory_space<hbm>> -> memref<3136xf32, #tpu.memory_space<hbm>>
      tpu.enqueue_dma source(%arg14 : memref<3136xf32, #tpu.memory_space<vmem>>) target(%dma_start3A_132 : memref<3136xf32, #tpu.memory_space<hbm>>) target_semaphore(%run_scoped3A : memref<!tpu.dma_semaphore, #tpu.memory_space<semaphore_mem>>)
      %dma_wait3A = tpu.memref_slice %arg6[%mul3A_2] : memref<100352xf32, #tpu.memory_space<hbm>> -> memref<3136xf32, #tpu.memory_space<hbm>>
      %dma_wait3A_133 = tpu.memref_slice %arg6[%mul3A_2] : memref<100352xf32, #tpu.memory_space<hbm>> -> memref<3136xf32, #tpu.memory_space<hbm>>
      tpu.wait_dma2 semaphore(%run_scoped3A : memref<!tpu.dma_semaphore, #tpu.memory_space<semaphore_mem>>) src(%arg14 : memref<3136xf32, #tpu.memory_space<vmem>>) dst(%dma_wait3A_133 : memref<3136xf32, #tpu.memory_space<hbm>>)
      tpu.yield
    }) : () -> ()
    "tpu.region"() ({
      %run_scoped3A = tpu.sem_alloc : memref<!tpu.dma_semaphore, #tpu.memory_space<semaphore_mem>>
      %dma_start3A = tpu.memref_slice %arg7[%mul3A_2] : memref<100352xf32, #tpu.memory_space<hbm>> -> memref<3136xf32, #tpu.memory_space<hbm>>
      %dma_start3A_132 = tpu.memref_slice %arg7[%mul3A_2] : memref<100352xf32, #tpu.memory_space<hbm>> -> memref<3136xf32, #tpu.memory_space<hbm>>
      tpu.enqueue_dma source(%arg15 : memref<3136xf32, #tpu.memory_space<vmem>>) target(%dma_start3A_132 : memref<3136xf32, #tpu.memory_space<hbm>>) target_semaphore(%run_scoped3A : memref<!tpu.dma_semaphore, #tpu.memory_space<semaphore_mem>>)
      %dma_wait3A = tpu.memref_slice %arg7[%mul3A_2] : memref<100352xf32, #tpu.memory_space<hbm>> -> memref<3136xf32, #tpu.memory_space<hbm>>
      %dma_wait3A_133 = tpu.memref_slice %arg7[%mul3A_2] : memref<100352xf32, #tpu.memory_space<hbm>> -> memref<3136xf32, #tpu.memory_space<hbm>>
      tpu.wait_dma2 semaphore(%run_scoped3A : memref<!tpu.dma_semaphore, #tpu.memory_space<semaphore_mem>>) src(%arg15 : memref<3136xf32, #tpu.memory_space<vmem>>) dst(%dma_wait3A_133 : memref<3136xf32, #tpu.memory_space<hbm>>)
      tpu.yield
    }) : () -> ()
    "tpu.region"() ({
      %run_scoped3A = tpu.sem_alloc : memref<!tpu.dma_semaphore, #tpu.memory_space<semaphore_mem>>
      %dma_start3A = tpu.memref_slice %arg8[%mul3A_2] : memref<100352xf32, #tpu.memory_space<hbm>> -> memref<3136xf32, #tpu.memory_space<hbm>>
      %dma_start3A_132 = tpu.memref_slice %arg8[%mul3A_2] : memref<100352xf32, #tpu.memory_space<hbm>> -> memref<3136xf32, #tpu.memory_space<hbm>>
      tpu.enqueue_dma source(%arg16 : memref<3136xf32, #tpu.memory_space<vmem>>) target(%dma_start3A_132 : memref<3136xf32, #tpu.memory_space<hbm>>) target_semaphore(%run_scoped3A : memref<!tpu.dma_semaphore, #tpu.memory_space<semaphore_mem>>)
      %dma_wait3A = tpu.memref_slice %arg8[%mul3A_2] : memref<100352xf32, #tpu.memory_space<hbm>> -> memref<3136xf32, #tpu.memory_space<hbm>>
      %dma_wait3A_133 = tpu.memref_slice %arg8[%mul3A_2] : memref<100352xf32, #tpu.memory_space<hbm>> -> memref<3136xf32, #tpu.memory_space<hbm>>
      tpu.wait_dma2 semaphore(%run_scoped3A : memref<!tpu.dma_semaphore, #tpu.memory_space<semaphore_mem>>) src(%arg16 : memref<3136xf32, #tpu.memory_space<vmem>>) dst(%dma_wait3A_133 : memref<3136xf32, #tpu.memory_space<hbm>>)
      tpu.yield
    }) : () -> ()
    "tpu.region"() ({
      %run_scoped3A = tpu.sem_alloc : memref<!tpu.dma_semaphore, #tpu.memory_space<semaphore_mem>>
      %dma_start3A = tpu.memref_slice %arg9[%mul3A_2] : memref<100352xf32, #tpu.memory_space<hbm>> -> memref<3136xf32, #tpu.memory_space<hbm>>
      %dma_start3A_132 = tpu.memref_slice %arg9[%mul3A_2] : memref<100352xf32, #tpu.memory_space<hbm>> -> memref<3136xf32, #tpu.memory_space<hbm>>
      tpu.enqueue_dma source(%arg17 : memref<3136xf32, #tpu.memory_space<vmem>>) target(%dma_start3A_132 : memref<3136xf32, #tpu.memory_space<hbm>>) target_semaphore(%run_scoped3A : memref<!tpu.dma_semaphore, #tpu.memory_space<semaphore_mem>>)
      %dma_wait3A = tpu.memref_slice %arg9[%mul3A_2] : memref<100352xf32, #tpu.memory_space<hbm>> -> memref<3136xf32, #tpu.memory_space<hbm>>
      %dma_wait3A_133 = tpu.memref_slice %arg9[%mul3A_2] : memref<100352xf32, #tpu.memory_space<hbm>> -> memref<3136xf32, #tpu.memory_space<hbm>>
      tpu.wait_dma2 semaphore(%run_scoped3A : memref<!tpu.dma_semaphore, #tpu.memory_space<semaphore_mem>>) src(%arg17 : memref<3136xf32, #tpu.memory_space<vmem>>) dst(%dma_wait3A_133 : memref<3136xf32, #tpu.memory_space<hbm>>)
      tpu.yield
    }) : () -> ()
    return
  }
}

</mosaic_0001>

<sc_bundles>
// kernel: kernel.3.cloned.1.call-start
scs
__scs_entry_jumppad:
0x0: {  	(pc) =	sbr.rel $0x88, $3  }
0x1: {  	(tag) =	ssettag $0x0;
	lr =	simm.s32 $0x1  }
0x2: {  	[smem:$0x3F9E] =	sst lr;
	_ =	strace $0xD0000000  }
0x3: {  	_ = 	snop  }
0x4: {  	_ = 	snop  }
0x5: {  	_ = 	snop  }
0x6: {  	_ = 	snop  }
0x7: {  	_ = 	snop  }
__scs_overlays_trampoline_lowered:
0x8: {  	[smem:$0x3FAD] =	sst s0  }
0x9: {  	[smem:$0x3FAE] =	sst s1  }
0xa: {  	[smem:$0x3FAF] =	sst s2  }
0xb: {  	[smem:$0x3FB0] =	sst s3  }
0xc: {  	[smem:$0x3FB1] =	sst s4  }
0xd: {  	[smem:$0x3FB2] =	sst s5  }
0xe: {  	[smem:$0x3FB3] =	sst s6  }
0xf: {  	[smem:$0x3FB4] =	sst s7  }
0x10: {  	[smem:$0x3FB5] =	sst s8  }
0x11: {  	[smem:$0x3FB6] =	sst s9;
	s0 =	simm.s32 @!p0 $0x0  }
0x12: {  	s1 =	sld [smem:$0x3F9C];
	s0 =	simm.s32 @p0 $0x1  }
0x13: {  	[smem:$0x3FB7] =	sst s0;
	s0 =	simm.s32 @!p1 $0x0  }
0x14: {  	s2 =	sld [smem:$0x3F9B];
	s0 =	simm.s32 @p1 $0x1  }
0x15: {  	[smem:$0x3FB8] =	sst s0;
	s0 =	simm.s32 @!p2 $0x0  }
0x16: {  	s3 =	sld [smem:$0x3FDB];
	s0 =	simm.s32 @p2 $0x1  }
0x17: {  	s4 =	simm.s32 $0x1BF5;
	[smem:$0x3FBA] =	sst s0  }
0x18: {  	s0 =	sld [smem:$0x3F9D];
	_ =	swait.ge [sflag:s4], $0x0  }
0x19: {  	s7 =	sld [smem:$0x3F9E]  }
0x1a: {  	s8 =	sadd.s32 $0xFFFFE003, lr  }
0x1b: {  	s9 =	sadd.s32 $0xFFFFFEF7, lr;
	s5 =	simm.s32 $0xFFFFFFFF;
	p2 =	slt.u32 s8, $0xFFFFF086  }
0x1c: {  	p1 =	slt.u32 s9, $0xF7A;
	s5 =	simm.s32 @!p2 $0x0  }
0x1d: {  	s5 =	simm.s32 @p1 $0x1;
	p0 =	seq.s32 s7, s2  }
0x1e: {  	s7 =	smul.u32 @!p0 $0xF7A, s2;
	p2 =	seq.s32 @!p0 s5, $0x0  }
0x1f: {  	s9 =	smul.u32 $0xF7A, s1;
	s8 =	simm.s32 @!p0 $0x1BF5;
	p2 =	por !p2, p0  }
0x20: {  	[sflag:s8] =	ssyncset.s32 @!p0 $0xFFFFF086;
	s6 =	sadd.s32 @!p0 s3, s7;
	s7 =	simm.s32 @!p0 $0x108  }
0x21: {  	s3 =	sadd.s32 s3, s9;
	s6 =	sadd.s32 @!p0 $0x88, s6;
	s7 =	simm.s32 @p2 $0x1082  }
0x22: {  	[simem:s7], [sflag:s8] =	dma.local @!p0 [hbm:s6], $0xF7A  }
0x23: {  	s9 =	sor.u32 $0xD0000000, s2;
	s6 =	simm.s32 $0x108;
	_ =	swait.ge @!p0 [sflag:s8], $0x0  }
0x24: {  	s3 =	sadd.s32 $0x88, s3;
	s6 =	simm.s32 @!p1 $0x1082;
	[sflag:s4] =	ssyncset.s32 $0xFFFFF086  }
0x25: {  	[simem:s6], [sflag:s4] =	dma.local [hbm:s3], $0xF7A  }
0x26: {  	[smem:$0x3F9E] =	sst s1;
	(tag) =	ssettag s2;
	_ =	strace s9  }
0x27: {  	s1 =	sld [smem:$0x3FAE]  }
0x28: {  	s2 =	sld [smem:$0x3FAF]  }
0x29: {  	s4 =	sld [smem:$0x3FB1]  }
0x2a: {  	p0 =	seq.s32 s5, $0x0;
	s5 =	sld [smem:$0x3FB2]  }
0x2b: {  	s6 =	sld [smem:$0x3FB3]  }
0x2c: {  	s7 =	sld [smem:$0x3FB4]  }
0x2d: {  	s3 =	simm.s32 $0x108;
	s8 =	sld [smem:$0x3FB5]  }
0x2e: {  	s3 =	simm.s32 @!p0 $0x1082;
	s9 =	sld [smem:$0x3FB6]  }
0x2f: {  	lr =	sadd.s32 s0, s3;
	s0 =	sld [smem:$0x3FAD]  }
0x30: {  	s3 =	sld [smem:$0x3FB0]  }
0x31: {  	[smem:$0x3FB9] =	sst s10  }
0x32: {  	s10 =	sld [smem:$0x3FB7];
	_ =	sdelay $0x3  }
0x33: {  	p0 =	seq.s32 s10, $0x1;
	s10 =	sld [smem:$0x3FB9];
	_ =	sdelay $0x3  }
0x34: {  	[smem:$0x3FB9] =	sst s10  }
0x35: {  	s10 =	sld [smem:$0x3FB8];
	_ =	sdelay $0x3  }
0x36: {  	p1 =	seq.s32 s10, $0x1;
	s10 =	sld [smem:$0x3FB9];
	_ =	sdelay $0x3  }
0x37: {  	[smem:$0x3FB9] =	sst s10  }
0x38: {  	s10 =	sld [smem:$0x3FBA]  }
0x39: {  	_ = 	snop;
	(pc) =	sbr.ind lr, $3  }
0x3a: {  	_ = 	snop  }
0x3b: {  	_ = 	snop  }
0x3c: {  	p2 =	seq.s32 s10, $0x1;
	s10 =	sld [smem:$0x3FB9]  }
0x3d: {  	_ =	shalt  }
0x3e: {  	_ =	shalt  }
0x3f: {  	_ =	shalt  }
0x40: {  	_ =	shalt  }
0x41: {  	_ =	shalt  }
0x42: {  	_ =	shalt  }
0x43: {  	_ =	shalt  }
0x44: {  	_ =	shalt  }
0x45: {  	_ =	shalt  }
0x46: {  	_ =	shalt  }
0x47: {  	_ =	shalt  }
0x48: {  	_ =	shalt  }
0x49: {  	_ =	shalt  }
0x4a: {  	_ =	shalt  }
0x4b: {  	_ =	shalt  }
0x4c: {  	_ =	shalt  }
0x4d: {  	_ =	shalt  }
0x4e: {  	_ =	shalt  }
0x4f: {  	_ =	shalt  }
0x50: {  	_ =	shalt  }
0x51: {  	_ =	shalt  }
0x52: {  	_ =	shalt  }
0x53: {  	_ =	shalt  }
0x54: {  	_ =	shalt  }
0x55: {  	_ =	shalt  }
0x56: {  	_ =	shalt  }
0x57: {  	_ =	shalt  }
0x58: {  	_ =	shalt  }
0x59: {  	_ =	shalt  }
0x5a: {  	_ =	shalt  }
0x5b: {  	_ =	shalt  }
0x5c: {  	_ =	shalt  }
0x5d: {  	_ =	shalt  }
0x5e: {  	_ =	shalt  }
0x5f: {  	_ =	shalt  }
0x60: {  	_ =	shalt  }
0x61: {  	_ =	shalt  }
0x62: {  	_ =	shalt  }
0x63: {  	_ =	shalt  }
0x64: {  	_ =	shalt  }
0x65: {  	_ =	shalt  }
0x66: {  	_ =	shalt  }
0x67: {  	_ =	shalt  }
0x68: {  	_ =	shalt  }
0x69: {  	_ =	shalt  }
0x6a: {  	_ =	shalt  }
0x6b: {  	_ =	shalt  }
0x6c: {  	_ =	shalt  }
0x6d: {  	_ =	shalt  }
0x6e: {  	_ =	shalt  }
0x6f: {  	_ =	shalt  }
0x70: {  	_ =	shalt  }
0x71: {  	_ =	shalt  }
0x72: {  	_ =	shalt  }
0x73: {  	_ =	shalt  }
0x74: {  	_ =	shalt  }
0x75: {  	_ =	shalt  }
0x76: {  	_ =	shalt  }
0x77: {  	_ =	shalt  }
0x78: {  	_ =	shalt  }
0x79: {  	_ =	shalt  }
0x7a: {  	_ =	shalt  }
0x7b: {  	_ =	shalt  }
0x7c: {  	_ =	shalt  }
0x7d: {  	_ =	shalt  }
0x7e: {  	_ =	shalt  }
0x7f: {  	_ =	shalt  }
0x80: {  	_ =	shalt  }
0x81: {  	_ =	shalt  }
0x82: {  	_ =	shalt  }
0x83: {  	_ =	shalt  }
0x84: {  	_ =	shalt  }
0x85: {  	_ =	shalt  }
0x86: {  	_ =	shalt  }
0x87: {  	_ =	shalt  }
.Lfunc_end0:
.L_simem_size_0:
called_computation_lowered:
.L_overlay_start_0:
0x88: {  	s2 =	sld [smem:$0x3FD9]  }
0x89: {  	s3 =	sld [smem:$0x3FFE];
	_ =	sdelay $0x1  }
0x8a: {  	s1 =	srdreg.scid  }
0x8b: {  	s0 =	sand.u32 $0x1, s1  }
0x8c: {  	s14 =	sshll.u32 s0, $0xA;
	s2 =	sadd.s32 s3, s2  }
0x8d: {  	s2 =	sadd.s32 s2, s14  }
0x8e: {  	[smem:$0x3FC5] =	sst s2  }
0x8f: {  	_ = 	snop  }
0x90: {  	s2 =	sld [smem:$0x3FD0];
	_ =	sdelay $0x2  }
0x91: {  	s15 =	simm.s32 $0xA;
	s4 =	simm.s32 $0x10  }
0x92: {  	[smem:s4], [sflag:s15] =	dma.local [hbm:s2], $0x1  }
0x93: {  	_ =	swait.eq [sflag:s15], $0x1  }
0x94: {  	s16 =	sld [smem:$0x10]  }
0x95: {  	s17 =	sld [smem:$0x11];
	[sflag:s15] =	ssyncset.done $0x0  }
0x96: {  	s5 =	sld [smem:$0x12];
	[sflag:s15] =	ssyncadd.s32 $0xFFFFFFFF  }
0x97: {  	s18 =	sld [smem:$0x13];
	(tm) =	ssettm $0x1  }
0x98: {  	s6 =	sld [smem:$0x3FFB];
	_ =	sdelay $0x3  }
0x99: {  	_ =	strace s6  }
0x9a: {  	s6 =	sld [smem:$0x3FFC];
	_ =	sdelay $0x3  }
0x9b: {  	_ =	strace s6  }
0x9c: {  	s6 =	sld [smem:$0x3FFD];
	_ =	sdelay $0x3  }
0x9d: {  	_ =	strace s6  }
0x9e: {  	_ =	strace $0x8FFFFFFF  }
0x9f: {  	s19 =	sld [smem:$0x3FDB];
	_ =	sdelay $0x1  }
0xa0: {  	s7 =	simm.s32 $_scs_section_size  }
0xa1: {  	s8 =	simm.s32 $_size__tile_overlayer_lowered;
	s9 =	simm.s32 $_tile_overlayer_lowered  }
0xa2: {  	s22 =	simm.s32 $0x1BFF;
	s21 =	sshll.u32 s9, $0x1;
	s6 =	sadd.s32 s7, s19  }
0xa3: {  	s10 =	simm.s32 $0x0;
	s20 =	sshll.u32 s8, $0x1;
	s8 =	sadd.s32 s21, s6  }
0xa4: {  	[timem:s10], [sflag:s22] =	dma.local [hbm:s8], s20  }
0xa5: {  	_ =	swait.ge [sflag:s22], s20  }
0xa6: {  	s7 =	ssub.s32 $0x0, s20;
	[sflag:s22] =	ssyncset.done $0x0  }
0xa7: {  	[sflag:s22] =	ssyncadd.s32 s7;
	_ =	sdelay $0x1  }
0xa8: {  	s23 =	simm.s32 $0x1B8B  }
0xa9: {  	_ =	swait.ge [sflag:s23], $0x1  }
0xaa: {  	[sflag:s23] =	ssyncset.done $0x0  }
0xab: {  	s25 =	simm.s32 $0x1B8E;
	s24 =	sld [smem:$0x3FFE];
	[sflag:s23] =	ssyncadd.s32 $0xFFFFFFFF  }
0xac: {  	s26 =	simm.s32 $execute0_lowered;
	[smem:$0x3FD2] =	sst s25  }
0xad: {  	s8 =	sshll.u32 s26, $0x1;
	_ =	strace $0x80000046;
	[dreg:$0x1] =	wrdreg $0xFFFFFFFF  }
0xae: {  	s28 =	simm.s32 $_size_execute0_lowered;
	s6 =	sadd.s32 s6, s8;
	[dreg:$0x0] =	wrdreg $0x0  }
0xaf: {  	s8 =	sshll.u32 s28, $0x1;
	[dreg:$0x2] =	wrdreg s6  }
0xb0: {  	[dreg:$0x3] =	wrdreg s8  }
0xb1: {  	[dreg:$0x4] =	wrdreg $0xC0  }
0xb2: {  	_ =	task [dreg:s10], $0x5FFFF  }
0xb3: {  	[dreg:$0x1] =	wrdreg $0xFFFFFFFF  }
0xb4: {  	[dreg:$0x0] =	wrdreg $0x60  }
0xb5: {  	[dreg:$0x2] =	wrdreg s24  }
0xb6: {  	[dreg:$0x3] =	wrdreg s16  }
0xb7: {  	[dreg:$0x4] =	wrdreg s17  }
0xb8: {  	[dreg:$0x5] =	wrdreg s5  }
0xb9: {  	[dreg:$0x6] =	wrdreg s18  }
0xba: {  	[dreg:$0x7] =	wrdreg $0x9  }
0xbb: {  	_ =	task.clear_ibuf [dreg:s10], $0x8FFFF;
	_ =	strace $0x90000046  }
0xbc: {  	s29 =	simm.s32 $0x9;
	_ =	strace $0x80000048  }
0xbd: {  	_ =	swait.ge [sflag:s29], $0x1  }
0xbe: {  	[sflag:s29] =	ssyncadd.s32 $0xFFFFFFFF  }
0xbf: {  	_ =	strace $0x90000048  }
0xc0: {  	_ =	sfence  }
0xc1: {  	s30 =	sld [smem:$0x0];
	_ =	sdelay $0x2  }
0xc2: {  	s31 =	sshll.u32 s1, $0xD;
	s1 =	sshrl.u32 s1, $0x2  }
0xc3: {  	s3 =	sand.u32 $0x4000, s31;
	s1 =	sadd.s32 s1, s30  }
0xc4: {  	s0 =	sor.u32 s3, s0;
	s1 =	sshll.u32 s1, $0x11  }
0xc5: {  	s0 =	sor.u32 s1, s0  }
0xc6: {  	s0 =	sadd.s32 $0x8F2B, s0  }
0xc7: {  	[sflag:s0] =	ssyncadd.remote.s32 $0x1  }
0xc8: {  	_ =	sfence.sel $0xFFFF  }
0xc9: {  	[dreg:$0x0] =	wrdreg $0xFFFFFFFF;
	(pc) =	sbr.abs _section_cstart, $3  }
0xca: {  	[dreg:$0x1] =	wrdreg $0xFFFFFFFF  }
0xcb: {  	_ =	task.clear_ibuf [dreg:s10], $0x2FFFF;
	_ =	strace $0x9FFFFFFF  }
0xcc: {  	(tm) =	ssettm $0x7FFFFFFF  }
0xcd: {  	_ =	shalt  }
tec
execute0_lowered:
.L_overlay_start_1:
0x0: {  	(tag) =	ssettag $0x1  }
0x1: {  	v2 =	vimm.s32 $0xFFEDCBA9;
	v3 =	vimm.s32 $0xEDCBA987;
	v6 =	vimm.s32 $0x65432100  }
0x2: {  	v12 =	vimm.s32 $0x32100000;
	v4 =	vunpack.c.l.s4.s8 v2;
	v2 =	vimm.s32 $0x87654321  }
0x3: {  	v13 =	vimm.s32 $0xE40000;
	v7 =	vunpack.c.l.s4.s8 v3;
	v5 =	vunpack.c.l.s4.s8 v2  }
0x4: {  	s6 =	rddreg [dreg:$0x0];
	vm0 =	vcmask $0x3F3C;
	vm1 =	vcmask $0x3F04;
	v6 =	vunpack.c.l.s4.s8 v6  }
0x5: {  	s7 =	rddreg [dreg:$0x1];
	v8 =	vunpack.c.0.s8.s32 v4;
	v10 =	vunpack.c.0.s8.s32 v7;
	v9 =	vunpack.c.0.s8.s32 v5  }
0x6: {  	s8 =	rddreg [dreg:$0x2];
	vm2 =	vcmask $0x3F08;
	vm4 =	vcmask $0x3F30;
	v11 =	vunpack.c.0.s8.s32 v6  }
0x7: {  	s1 =	srdreg.scid;
	s9 =	rddreg [dreg:$0x3];
	vm3 =	vcmask $0x3F10;
	v7 =	vcombine.low v9, v8;
	v8 =	vand.u32 $0xF, v10  }
0x8: {  	s0 =	stileid.u32;
	s10 =	rddreg [dreg:$0x4];
	s2 =	simm.s32 $0x0;
	v9 =	vimm.s32 $0x54321000;
	v10 =	vimm.s32 $0xDCBA9876;
	v8 =	vcombine.low v11, v8  }
0x9: {  	s14 =	simm.s32 $0x2000;
	s4 =	sand.u32 $0x1, s1;
	s31 =	sshll.u32 s0, $0x1;
	v11 =	vunpack.c.l.s4.s8 v9;
	v9 =	vunpack.c.l.s4.s8 v10;
	v10 =	vimm.s32 $0xBA987654  }
0xa: {  	s15 =	simm.s32 $0x4D00;
	s16 =	simm.s32 $0x5980;
	v3 =	vimm.f32 $-Inf;
	v13 =	vunpack.c.l.s2.s4 v13;
	s1 =	sor.u32 s4, s31;
	v10 =	vunpack.c.l.s4.s8 v10  }
0xb: {  	s17 =	simm.s32 $0x6600;
	s18 =	simm.s32 $0x7280;
	s19 =	simm.s32 $0x4080;
	v12 =	vunpack.c.l.s4.s8 v12;
	v0 =	vmov s1;
	v4 =	vimm.f32 $0.0e+00  }
0xc: {  	s20 =	simm.s32 $0x0;
	[smem:$0x7FF] =	sst s2;
	s3 =	sadd.s32 $0x5A00, s6;
	v13 =	vunpack.c.l.s4.s8 v13;
	v14 =	vunpack.c.0.s8.s32 v9;
	v15 =	vunpack.c.0.s8.s32 v10  }
0xd: {  	s11 =	ssub.s32 $0x2, s4;
	s4 =	sadd.s32 $0xC9400, s6;
	s5 =	smul.u32 $0xC40, s1;
	v6 =	vimm.f32 $1.000000000e+00;
	v12 =	vunpack.c.0.s8.s32 v12;
	v1 =	vadd.s32 $0x1, v0  }
0xe: {  	s1 =	rddreg [dreg:$0x5];
	_ =	strace $0x80000047;
	s13 =	sshrl.u32 s11, $0x1;
	v13 =	vunpack.c.0.s8.s32 v13;
	v10 =	vand.u32 $0xF, v14;
	v14 =	vand.u32 $0xF, v15  }
0xf: {  	s11 =	ssub.s32 s11, s13;
	s13 =	simm.s32 $0x1;
	s12 =	sshrl.u32 s5, $0x3;
	v11 =	vunpack.c.0.s8.s32 v11;
	v12 =	vcombine.low v12, v14;
	v14 =	vimm.s32 $0x7060504  }
0x10: {  	v5 =	vimm.f32 $+Inf;
	v2 =	vmov s5;
	s5 =	sadd.s32 $0x18CE00, s6;
	s11 =	smax.u32 s11, $0x1;
	s6 =	sadd.s32 s12, s6;
	v14 =	vunpack.c.0.s8.s32 v14  }
0x11: {  	s7 =	sadd.s32 s7, s12;
	s8 =	sadd.s32 s8, s12;
	s9 =	sadd.s32 s9, s12;
	v13 =	vand.u32 $0x3, v13;
	v9 =	vlaneseq.u32;
	v10 =	vcombine.low v11, v10  }
0x12: {  	s10 =	sadd.s32 s10, s12;
	s12 =	simm.s32 $0x4000;
	s6 =	sadd.s32 $0x2800, s6;
	v11 =	vadd.s32 $0x1, v9;
	v13 =	vsel vm4, v14, v13;
	vm4 =	vcmask $0x3F20  }
.LBB2_1:
0x13: {  	s22 =	simm.s32 $0x40;
	s21 =	simm.s32 $0x0  }
.LBB2_2:
0x14: {  	p0 =	sne.s32 s22, $0x30C0;
	[tilespmem:s21+$0x7280] =	vst v6;
	s23 =	smov.u32 s22;
	s22 =	sadd.s32 $0x40, s22  }
.Ltmp0:
0x15: {  	[tilespmem:s21+$0x6600] =	vst v5;
	(pc) =	sbr.rel @p0 .LBB2_2-.Ltmp0, $3  }
0x16: {  	[tilespmem:s21+$0x4D00] =	vst v3  }
0x17: {  	[tilespmem:s21+$0x5980] =	vst v4;
	_ =	sdelay $0x1  }
0x18: {  	s21 =	sshra.s32 s23, $0x2  }
0x19: {  	[tilespmem:s21+$0x7280] =	vst v6  }
0x1a: {  	[tilespmem:s21+$0x6600] =	vst v5  }
0x1b: {  	[tilespmem:s21+$0x4D00] =	vst v3  }
0x1c: {  	[tilespmem:s21+$0x5980] =	vst v4  }
0x1d: {  	[tilespmem:s12], [sflag:$0x1] =	stream.linear.gather [hbm4b:s5+s2], $0x80, $0x38;
	[tilespmem:$0x7F00] =	vst v63  }
0x1e: {  	_ =	swait.ge [sflag:s13], $0x80  }
0x1f: {  	[sflag:s13] =	ssyncset.done $0x0  }
0x20: {  	[sflag:s13] =	ssyncadd.s32 $0xFFFFFF80  }
0x21: {  	v14 =	vld.idx.msk [tilespmem:v0+s12+$0x0], $0xffff;
	_ =	sdelay $0x4  }
0x22: {  	v14 =	vxor.u32 $0x80000000, v14  }
0x23: {  	(xrf0) =	vmax.scan.msk.u32 $0xffff, v14  }
0x24: {  	v14 =	vld.idx.msk [tilespmem:v1+s12+$0x0], $0xffff;
	_ =	sdelay $0x4  }
0x25: {  	v14 =	vxor.u32 $0x80000000, v14;
	v15, _, _ =	vpop (xrf0)  }
0x26: {  	(xrf0) =	vmax.scan.msk.u32 $0xffff, v14;
	(v2sf) =	vpush v15, $0xF;
	_ =	sdelay $0x5  }
0x27: {  	v14, _, _ =	vpop (xrf0)  }
0x28: {  	(v2sf) =	vpush v14, $0xF;
	_ =	sdelay $0x7  }
0x29: {  	s28 =	spop (v2sf)  }
0x2a: {  	s23 =	sxor.u32 $0x80000000, s28  }
0x2b: {  	p1 =	sgt.s32 s28, $0xFFFFFFFF;
	s21 =	sand.u32 $0xF, s28;
	p0 =	slt.s32 s23, $0x1  }
0x2c: {  	s22 =	sshra.s32 s23, $0x1F;
	p4 =	sne.s32 s21, $0x0;
	p0 =	por p1, p0  }
0x2d: {  	s29 =	sshrl.u32 s22, $0x1C;
	p0 =	por !p4, !p0  }
0x2e: {  	s22 =	simm.s32 $0x1;
	s21 =	sadd.s32 s29, s23;
	p0 =	por !p0, !p0  }
0x2f: {  	s21 =	sshrl.u32 s21, $0x4;
	s22 =	simm.s32 @!p0 $0x0  }
0x30: {  	s24 =	spop (v2sf);
	s21 =	ssub.s32 s21, s22  }
0x31: {  	s24 =	sxor.u32 $0x80000000, s24;
	s21 =	sshll.u32 s21, $0x4  }
0x32: {  	s30 =	ssub.s32 s24, s21  }
0x33: {  	s22 =	sadd.s32 $0x1FFF, s30  }
0x34: {  	s25 =	sand.u32 $0x1FFF, s22  }
0x35: {  	s31 =	sshra.s32 s22, $0x1F;
	p6 =	slt.s32 s22, $0x1;
	p5 =	sne.s32 s25, $0x0  }
0x36: {  	s25 =	sshrl.u32 s31, $0x13;
	p0 =	por !p6, !p5  }
0x37: {  	s22 =	sadd.s32 s25, s22;
	s25 =	simm.s32 $0x1;
	p0 =	por !p0, !p0  }
0x38: {  	s22 =	sshra.s32 s22, $0xD;
	s25 =	simm.s32 @!p0 $0x0  }
0x39: {  	s22 =	ssub.s32 s22, s25  }
0x3a: {  	p0 =	slt.s32 s22, $0x1  }
.Ltmp1:
0x3b: {  	_ = 	snop;
	(pc) =	sbr.rel @p0 .LBB2_8-.Ltmp1, $1  }
0x3c: {  	_ =	sdelay $0x3  }
0x3d: {  	v14 =	vmov s23;
	v15 =	vmov s24;
	s23 =	simm.s32 $0x0;
	s24 =	smov.u32 s21;
	s25 =	simm.s32 $0x0  }
.LBB2_5:
0x3e: {  	s26 =	sshll.u32 s25, $0xD  }
0x3f: {  	s26 =	sadd.s32 s21, s26  }
0x40: {  	s26 =	sshrl.u32 s26, $0x3  }
0x41: {  	s28 =	sadd.s32 s3, s26  }
0x42: {  	[tilespmem:s23], [sflag:$0x1] =	stream.linear.gather [hbm4b:s28+s23], $0x2000, $0x38;
	[tilespmem:$0x7F00] =	vst v63  }
0x43: {  	_ =	swait.ge [sflag:s13], $0x2000  }
0x44: {  	[sflag:s13] =	ssyncset.done $0x0  }
0x45: {  	s26 =	sadd.s32 s4, s26;
	[sflag:s13] =	ssyncadd.s32 $0xFFFFE000  }
0x46: {  	[tilespmem:s14], [sflag:$0x1] =	stream.linear.gather [hbm4b:s26+s23], $0x2000, $0x38;
	[tilespmem:$0x7F00] =	vst v63  }
0x47: {  	_ =	swait.ge [sflag:s13], $0x2000  }
0x48: {  	[sflag:s13] =	ssyncset.done $0x0  }
0x49: {  	s31 =	simm.s32 $0x0;
	[sflag:s13] =	ssyncadd.s32 $0xFFFFE000  }
0x4a: {  	v17 =	vld [tilespmem:s31+$0x2000]  }
0x4b: {  	v18 =	vld [tilespmem:s31+$0x0];
	_ =	sdelay $0x3  }
0x4c: {  	v19 =	vor.u32 s24, v9;
	v16 =	vperm.xlane v17, v8  }
0x4d: {  	v20 =	vadd.s32 s24, v11;
	vm5 =	vge.s32 v19, v14;
	v21 =	vperm.xlane v18, v8  }
0x4e: {  	vm8 =	veq.s32 v20, v15;
	vm10 =	vlt.s32 v19, v15;
	vm6 =	veq.s32 v17, v16  }
0x4f: {  	v22 =	vsub.s32 v17, v2;
	v16 =	vmax.f32 v18, v21;
	vm6 =	vmand vm6, vm1  }
0x50: {  	v23 =	vperm.xlane v17, v10;
	v25 =	vperm.xlane v17, v7;
	v49 =	vsel vm6, v16, v18  }
0x51: {  	v26 =	vperm.xlane v17, v12;
	vm7 =	vgt.s32 v22, $0x0;
	v24 =	vperm.xlane v49, v10  }
0x52: {  	v48 =	vnsel vm7, $0x0, v22;
	vm7 =	veq.s32 v17, v23;
	v50 =	vadd.f32 v21, v18  }
0x53: {  	vm7 =	vmand vm7, vm2;
	v16 =	vmin.u32 v48, $0xC3F;
	v52 =	vmax.f32 v49, v24  }
0x54: {  	vm9 =	vne.s32 v17, v25;
	v51 =	vsel vm6, v50, v18;
	v22 =	vsel vm7, v52, v49  }
0x55: {  	vm13 =	veq.s32 v17, v26;
	v53 =	vperm.xlane v51, v10;
	v19 =	vperm.xlane v22, v12  }
0x56: {  	vm5 =	vmand vm5, vm10;
	vm8 =	vmor vm9, vm8;
	vm14 =	vmand vm13, vm3  }
0x57: {  	vm11 =	vmor vm8, vm0;
	v54 =	vadd.f32 v53, v51;
	v19 =	vmax.f32 v22, v19  }
0x58: {  	v55 =	vperm.xlane v17, v13;
	vm5 =	vmand vm5, vm11;
	v56 =	vld.idx.msk [tilespmem:v16+s15+$0x0], $0xffff;
	v19 =	vsel vm14, v19, v22  }
0x59: {  	v20 =	vsel vm7, v54, v51;
	v22 =	vperm.xlane v19, v13  }
0x5a: {  	vm15 =	veq.s32 v17, v55;
	v23 =	vperm.xlane v20, v12  }
0x5b: {  	vm9 =	vmand vm15, vm4;
	v17 =	vmax.f32 v19, v22  }
0x5c: {  	v57 =	vadd.f32 v20, v23;
	v17 =	vsel vm9, v17, v19  }
0x5d: {  	v17 =	vmax.f32 v17, v56  }
0x5e: {  	v20 =	vsel vm14, v57, v20;
	v19 =	vmin.f32 v18, v21;
	[tilespmem:v16+s15+$0x0] =	vst.idx.msk vm5, v17  }
0x5f: {  	v17 =	vsel vm6, v19, v18;
	v19 =	vperm.xlane v20, v13;
	v58 =	vld.idx.msk [tilespmem:v16+s16+$0x0], $0xffff  }
0x60: {  	v59 =	vperm.xlane v17, v10  }
0x61: {  	v21 =	vmul.f32 v21, v18;
	v19 =	vadd.f32 v20, v19  }
0x62: {  	v23 =	vmin.f32 v17, v59  }
0x63: {  	v18 =	vsel vm6, v21, v18;
	v17 =	vsel vm7, v23, v17;
	v19 =	vsel vm9, v19, v20  }
0x64: {  	v60 =	vperm.xlane v18, v10;
	v61 =	vperm.xlane v17, v12;
	v19 =	vadd.f32 v19, v58;
	_ =	sdelay $0x1  }
0x65: {  	v20 =	vmul.f32 v60, v18;
	v21 =	vmin.f32 v17, v61;
	[tilespmem:v16+s16+$0x0] =	vst.idx.msk vm5, v19  }
0x66: {  	v17 =	vsel vm14, v21, v17;
	v19 =	vld.idx.msk [tilespmem:v16+s17+$0x0], $0xffff  }
0x67: {  	v18 =	vsel vm7, v20, v18;
	v62 =	vperm.xlane v17, v13  }
0x68: {  	v63 =	vperm.xlane v18, v12  }
0x69: {  	v20 =	vmin.f32 v17, v62  }
0x6a: {  	v21 =	vmul.f32 v18, v63;
	v17 =	vsel vm9, v20, v17  }
0x6b: {  	v17 =	vmin.f32 v17, v19  }
0x6c: {  	v18 =	vsel vm14, v21, v18;
	[tilespmem:v16+s17+$0x0] =	vst.idx.msk vm5, v17  }
0x6d: {  	v17 =	vperm.xlane v18, v13;
	v19 =	vld.idx.msk [tilespmem:v16+s18+$0x0], $0xffff;
	_ =	sdelay $0x1  }
0x6e: {  	v17 =	vmul.f32 v18, v17;
	_ =	sdelay $0x1  }
0x6f: {  	v17 =	vsel vm9, v17, v18  }
0x70: {  	s30 =	simm.s32 $0x80;
	s28 =	simm.s32 $0x40;
	s26 =	smov.u32 s24;
	v17 =	vmul.f32 v17, v19  }
.LBB2_6:
0x71: {  	s31 =	sshra.s32 s28, $0x2  }
0x72: {  	s26 =	sadd.s32 $0x10, s26;
	s28 =	smov.u32 s30;
	s29 =	sadd.s32 $0x40, s30  }
0x73: {  	p0 =	sne.s32 s30, $0x7FC0;
	[tilespmem:v16+s18+$0x0] =	vst.idx.msk vm5, v17  }
0x74: {  	v17 =	vld [tilespmem:s31+$0x2000]  }
0x75: {  	v18 =	vld [tilespmem:s31+$0x0];
	_ =	sdelay $0x1  }
0x76: {  	v16 =	vor.u32 s26, v9;
	v19 =	vadd.s32 s26, v11  }
0x77: {  	vm5 =	vge.s32 v16, v14;
	vm7 =	vlt.s32 v16, v15  }
0x78: {  	v16 =	vsub.s32 v17, v2;
	v20 =	vperm.xlane v17, v8;
	v21 =	vperm.xlane v17, v10  }
0x79: {  	vm9 =	veq.s32 v19, v15;
	vm6 =	vgt.s32 v16, $0x0;
	v19 =	vperm.xlane v18, v8  }
0x7a: {  	v16 =	vnsel vm6, $0x0, v16;
	vm6 =	veq.s32 v17, v20;
	vm10 =	veq.s32 v17, v21  }
0x7b: {  	vm8 =	vmand vm6, vm1;
	v20 =	vmax.f32 v18, v19;
	v21 =	vadd.f32 v19, v18  }
0x7c: {  	v22 =	vperm.xlane v17, v7;
	v23 =	vperm.xlane v17, v12;
	v20 =	vsel vm8, v20, v18  }
0x7d: {  	v16 =	vmin.u32 v16, $0xC3F;
	v24 =	vperm.xlane v20, v10;
	v21 =	vsel vm8, v21, v18  }
0x7e: {  	vm11 =	veq.s32 v17, v23;
	vm6 =	vne.s32 v17, v22;
	v22 =	vperm.xlane v21, v10  }
0x7f: {  	vm9 =	vmor vm6, vm9;
	vm6 =	vmand vm10, vm2;
	v23 =	vmax.f32 v20, v24  }
0x80: {  	vm9 =	vmor vm9, vm0;
	v20 =	vsel vm6, v23, v20;
	v22 =	vadd.f32 v22, v21  }
0x81: {  	vm5 =	vmand vm5, vm7;
	v23 =	vperm.xlane v17, v13;
	v24 =	vperm.xlane v20, v12  }
0x82: {  	v21 =	vsel vm6, v22, v21;
	v22 =	vmin.f32 v18, v19;
	v19 =	vmul.f32 v19, v18  }
0x83: {  	vm7 =	vmand vm11, vm3;
	v24 =	vmax.f32 v20, v24;
	v25 =	vld.idx.msk [tilespmem:v16+s15+$0x0], $0xffff;
	v26 =	vperm.xlane v21, v12  }
0x84: {  	vm5 =	vmand vm5, vm9;
	vm9 =	veq.s32 v17, v23;
	v17 =	vsel vm7, v24, v20  }
0x85: {  	v22 =	vsel vm8, v22, v18;
	v20 =	vperm.xlane v17, v13;
	v23 =	vadd.f32 v21, v26  }
0x86: {  	v24 =	vperm.xlane v22, v10;
	v18 =	vsel vm8, v19, v18  }
0x87: {  	vm8 =	vmand vm9, vm4;
	v19 =	vmax.f32 v17, v20;
	v20 =	vsel vm7, v23, v21  }
0x88: {  	v21 =	vmin.f32 v22, v24;
	v17 =	vsel vm8, v19, v17;
	v19 =	vperm.xlane v20, v13  }
0x89: {  	v21 =	vsel vm6, v21, v22;
	v22 =	vperm.xlane v18, v10;
	v17 =	vmax.f32 v17, v25  }
0x8a: {  	[tilespmem:v16+s15+$0x0] =	vst.idx.msk vm5, v17;
	v17 =	vadd.f32 v20, v19;
	v19 =	vperm.xlane v21, v12  }
0x8b: {  	v22 =	vmul.f32 v22, v18;
	v23 =	vld.idx.msk [tilespmem:v16+s16+$0x0], $0xffff  }
0x8c: {  	v17 =	vsel vm8, v17, v20;
	v19 =	vmin.f32 v21, v19  }
0x8d: {  	v18 =	vsel vm6, v22, v18;
	v19 =	vsel vm7, v19, v21  }
0x8e: {  	v21 =	vperm.xlane v18, v12;
	v20 =	vperm.xlane v19, v13;
	_ =	sdelay $0x1  }
0x8f: {  	v21 =	vmul.f32 v18, v21;
	v20 =	vmin.f32 v19, v20  }
0x90: {  	v17 =	vadd.f32 v17, v23;
	v19 =	vsel vm8, v20, v19  }
0x91: {  	v18 =	vsel vm7, v21, v18  }
0x92: {  	[tilespmem:v16+s16+$0x0] =	vst.idx.msk vm5, v17;
	v17 =	vperm.xlane v18, v13  }
0x93: {  	v20 =	vld.idx.msk [tilespmem:v16+s17+$0x0], $0xffff  }
0x94: {  	v17 =	vmul.f32 v18, v17;
	_ =	sdelay $0x1  }
0x95: {  	v17 =	vsel vm8, v17, v18;
	_ =	sdelay $0x2  }
0x96: {  	v18 =	vmin.f32 v19, v20  }
0x97: {  	[tilespmem:v16+s17+$0x0] =	vst.idx.msk vm5, v18  }
0x98: {  	v18 =	vld.idx.msk [tilespmem:v16+s18+$0x0], $0xffff;
	_ =	sdelay $0x1  }
.Ltmp2:
0x99: {  	(pc) =	sbr.rel @p0 .LBB2_6-.Ltmp2, $2  }
0x9a: {  	_ =	sdelay $0x2  }
0x9b: {  	s30 =	smov.u32 s29;
	v17 =	vmul.f32 v17, v18  }
0x9c: {  	_ =	sdelay $0x4  }
0x9d: {  	s28 =	sshra.s32 s28, $0x2;
	[tilespmem:v16+s18+$0x0] =	vst.idx.msk vm5, v17  }
0x9e: {  	v16 =	vld [tilespmem:s28+$0x2000]  }
0x9f: {  	v17 =	vld [tilespmem:s28+$0x0];
	_ =	sdelay $0x2  }
0xa0: {  	s26 =	sadd.s32 $0x10, s26  }
0xa1: {  	v18 =	vor.u32 s26, v9;
	v19 =	vperm.xlane v16, v8  }
0xa2: {  	v20 =	vadd.s32 s26, v11;
	vm7 =	vge.s32 v18, v14;
	v21 =	vperm.xlane v17, v8  }
0xa3: {  	vm8 =	veq.s32 v20, v15;
	vm10 =	vlt.s32 v18, v15;
	vm5 =	veq.s32 v16, v19  }
0xa4: {  	v22 =	vsub.s32 v16, v2;
	v43 =	vmax.f32 v17, v21;
	vm5 =	vmand vm5, vm1  }
0xa5: {  	v23 =	vperm.xlane v16, v10;
	v24 =	vperm.xlane v16, v7;
	v19 =	vsel vm5, v43, v17  }
0xa6: {  	v25 =	vperm.xlane v16, v12;
	vm6 =	vgt.s32 v22, $0x0;
	v46 =	vperm.xlane v19, v10  }
0xa7: {  	v44 =	vnsel vm6, $0x0, v22;
	vm6 =	veq.s32 v16, v23;
	v45 =	vadd.f32 v21, v17  }
0xa8: {  	v20 =	vmin.u32 v44, $0xC3F;
	vm6 =	vmand vm6, vm2;
	v23 =	vmax.f32 v19, v46  }
0xa9: {  	vm9 =	vne.s32 v16, v24;
	v22 =	vsel vm5, v45, v17;
	v19 =	vsel vm6, v23, v19  }
0xaa: {  	vm13 =	veq.s32 v16, v25;
	v47 =	vperm.xlane v22, v10;
	v48 =	vperm.xlane v19, v12  }
0xab: {  	vm7 =	vmand vm7, vm10;
	vm8 =	vmor vm9, vm8;
	vm14 =	vmand vm13, vm3  }
0xac: {  	vm11 =	vmor vm8, vm0;
	v49 =	vadd.f32 v47, v22;
	v18 =	vmax.f32 v19, v48  }
0xad: {  	v50 =	vperm.xlane v16, v13;
	vm7 =	vmand vm7, vm11;
	v51 =	vld.idx.msk [tilespmem:v20+s15+$0x0], $0xffff;
	v18 =	vsel vm14, v18, v19  }
0xae: {  	v52 =	vsel vm6, v49, v22;
	v53 =	vperm.xlane v18, v13  }
0xaf: {  	vm15 =	veq.s32 v16, v50;
	v23 =	vperm.xlane v52, v12  }
0xb0: {  	vm9 =	vmand vm15, vm4;
	v16 =	vmax.f32 v18, v53  }
0xb1: {  	v54 =	vadd.f32 v52, v23;
	v16 =	vsel vm9, v16, v18  }
0xb2: {  	v16 =	vmax.f32 v16, v51  }
0xb3: {  	v55 =	vmin.f32 v17, v21;
	v19 =	vsel vm14, v54, v52;
	[tilespmem:v20+s15+$0x0] =	vst.idx.msk vm7, v16  }
0xb4: {  	v56 =	vperm.xlane v19, v13;
	v16 =	vsel vm5, v55, v17;
	v57 =	vld.idx.msk [tilespmem:v20+s16+$0x0], $0xffff  }
0xb5: {  	v58 =	vperm.xlane v16, v10  }
0xb6: {  	v21 =	vmul.f32 v21, v17;
	v18 =	vadd.f32 v19, v56  }
0xb7: {  	v23 =	vmin.f32 v16, v58  }
0xb8: {  	v17 =	vsel vm5, v21, v17;
	v18 =	vsel vm9, v18, v19;
	v16 =	vsel vm6, v23, v16  }
0xb9: {  	v59 =	vperm.xlane v17, v10;
	v60 =	vperm.xlane v16, v12;
	v18 =	vadd.f32 v18, v57;
	_ =	sdelay $0x1  }
0xba: {  	v19 =	vmul.f32 v59, v17;
	v21 =	vmin.f32 v16, v60;
	[tilespmem:v20+s16+$0x0] =	vst.idx.msk vm7, v18  }
0xbb: {  	v16 =	vsel vm14, v21, v16;
	v18 =	vld.idx.msk [tilespmem:v20+s17+$0x0], $0xffff  }
0xbc: {  	v17 =	vsel vm6, v19, v17;
	v61 =	vperm.xlane v16, v13  }
0xbd: {  	v62 =	vperm.xlane v17, v12  }
0xbe: {  	v19 =	vmin.f32 v16, v61  }
0xbf: {  	v21 =	vmul.f32 v17, v62;
	v16 =	vsel vm9, v19, v16  }
0xc0: {  	v16 =	vmin.f32 v16, v18  }
0xc1: {  	v17 =	vsel vm14, v21, v17;
	[tilespmem:v20+s17+$0x0] =	vst.idx.msk vm7, v16  }
0xc2: {  	v16 =	vperm.xlane v17, v13;
	v63 =	vld.idx.msk [tilespmem:v20+s18+$0x0], $0xffff  }
0xc3: {  	s25 =	sadd.s32 $0x1, s25  }
0xc4: {  	p0 =	sne.s32 s25, s22;
	v16 =	vmul.f32 v17, v16  }
.Ltmp3:
0xc5: {  	_ = 	snop;
	(pc) =	sbr.rel @p0 .LBB2_5-.Ltmp3, $3  }
0xc6: {  	v16 =	vsel vm9, v16, v17  }
0xc7: {  	v16 =	vmul.f32 v16, v63;
	_ =	sdelay $0x1  }
0xc8: {  	s24 =	sadd.s32 $0x2000, s24;
	[tilespmem:v20+s18+$0x0] =	vst.idx.msk vm7, v16  }
.LBB2_8:
0xc9: {  	s21 =	simm.s32 $0x0  }
0xca: {  	[tilespmem:s19], [sflag:$0x1] =	stream.linear.gather [hbm4b:s6+s21], $0xC40, $0x38;
	[tilespmem:$0x7F00] =	vst v63  }
0xcb: {  	_ =	swait.ge [sflag:s13], $0xC40  }
0xcc: {  	[sflag:s13] =	ssyncset.done $0x0  }
0xcd: {  	s21 =	simm.s32 $0x0;
	[sflag:s13] =	ssyncadd.s32 $0xFFFFF3C0  }
0xce: {  	v14 =	vld [tilespmem:s21+$0x4080]  }
0xcf: {  	v16 =	vld [tilespmem:s21+$0x4D00]  }
0xd0: {  	v17 =	vld [tilespmem:s21+$0x5980]  }
0xd1: {  	s22 =	simm.s32 $0x40;
	v15 =	vld [tilespmem:s21+$0x6600]  }
.LBB2_9:
0xd2: {  	p0 =	sne.s32 s22, $0x30C0;
	v18 =	vld [tilespmem:s21+$0x7280]  }
0xd3: {  	v19 =	vmov v14;
	_ =	sdelay $0x1  }
.Ltmp4:
0xd4: {  	s23 =	sshra.s32 s22, $0x2;
	v16 =	vmax.f32 v19, v16;
	v17 =	vadd.f32 v17, v19;
	(pc) =	sbr.rel @p0 .LBB2_9-.Ltmp4, $4  }
0xd5: {  	v14 =	vld [tilespmem:s23+$0x4080];
	[tilespmem:s21+$0x4D00] =	vst v16  }
0xd6: {  	v15 =	vmin.f32 v19, v15;
	v16 =	vld [tilespmem:s23+$0x4D00];
	[tilespmem:s21+$0x5980] =	vst v17;
	v18 =	vmul.f32 v18, v19  }
0xd7: {  	v17 =	vld [tilespmem:s23+$0x5980];
	[tilespmem:s21+$0x6600] =	vst v15  }
0xd8: {  	s22 =	sadd.s32 $0x40, s22;
	v15 =	vld [tilespmem:s23+$0x6600];
	[tilespmem:s21+$0x7280] =	vst v18;
	s21 =	smov.u32 s23  }
0xd9: {  	v18 =	vld [tilespmem:s21+$0x7280];
	_ =	sdelay $0x2  }
0xda: {  	v16 =	vmax.f32 v14, v16;
	v17 =	vadd.f32 v17, v14  }
0xdb: {  	[tilespmem:s21+$0x4D00] =	vst v16  }
0xdc: {  	v15 =	vmin.f32 v14, v15;
	[tilespmem:s21+$0x5980] =	vst v17;
	v14 =	vmul.f32 v18, v14  }
0xdd: {  	[tilespmem:s21+$0x6600] =	vst v15  }
0xde: {  	[tilespmem:s21+$0x7280] =	vst v14  }
0xdf: {  	[hbm4b:s7+s2] =	stream.linear.scatter [tilespmem:s15], [sflag:$0x1], $0xC40, $0x38;
	[tilespmem:$0x7F00] =	vst v63  }
0xe0: {  	_ =	swait.ge [sflag:s13], $0xC40  }
0xe1: {  	[sflag:s13] =	ssyncset.done $0x0  }
0xe2: {  	[sflag:s13] =	ssyncadd.s32 $0xFFFFF3C0  }
0xe3: {  	[hbm4b:s8+s2] =	stream.linear.scatter [tilespmem:s16], [sflag:$0x1], $0xC40, $0x38;
	[tilespmem:$0x7F00] =	vst v63  }
0xe4: {  	_ =	swait.ge [sflag:s13], $0xC40  }
0xe5: {  	[sflag:s13] =	ssyncset.done $0x0  }
0xe6: {  	[sflag:s13] =	ssyncadd.s32 $0xFFFFF3C0  }
0xe7: {  	[hbm4b:s9+s2] =	stream.linear.scatter [tilespmem:s17], [sflag:$0x1], $0xC40, $0x38;
	[tilespmem:$0x7F00] =	vst v63  }
0xe8: {  	s20 =	sadd.s32 $0x1, s20;
	_ =	swait.ge [sflag:s13], $0xC40  }
0xe9: {  	p0 =	sne.s32 s20, s11;
	[sflag:s13] =	ssyncset.done $0x0  }
.Ltmp5:
0xea: {  	[sflag:s13] =	ssyncadd.s32 $0xFFFFF3C0;
	(pc) =	sbr.rel @p0 .LBB2_1-.Ltmp5, $4  }
0xeb: {  	[hbm4b:s10+s2] =	stream.linear.scatter [tilespmem:s18], [sflag:$0x1], $0xC40, $0x38;
	[tilespmem:$0x7F00] =	vst v63  }
0xec: {  	_ =	swait.ge [sflag:s13], $0xC40  }
0xed: {  	[sflag:s13] =	ssyncset.done $0x0  }
0xee: {  	[sflag:s13] =	ssyncadd.s32 $0xFFFFF3C0  }
0xef: {  	_ =	sfence.sel $0x180000  }
0xf0: {  	[bflag:$0x0] =	sbarrier.arrive $0xFFFF  }
0xf1: {  	p0 =	sne.s32 s0, $0x0;
	_ =	strace $0x90000047  }
0xf2: {  	s0 =	sadd.s32 @!p0 $0x100000, s1;
	[bflag:$0x2] =	sbarrier.arrive $0xFFFF  }
0xf3: {  	[sflag:s0] =	ssyncadd.tile.s32 @!p0 $0x1;
	_ =	shalt  }
.Lfunc_end2:
_tile_overlayer_lowered:
.L_overlay_start_2:
0xf4: {  	(tag) =	ssettag $0x2  }
0xf5: {  	s0 =	rddreg [dreg:$0x0];
	s2 =	stileid.u32  }
0xf6: {  	s1 =	rddreg [dreg:$0x1];
	p0 =	sne.s32 s2, $0x0  }
0xf7: {  	s3 =	rddreg [dreg:$0x2];
	[bflag:$0x3] =	sbarrier.arrive $0xFFFF;
	s2 =	simm.s32 @!p0 $0x1C01  }
0xf8: {  	[timem:s3], [sflag:s2] =	dma.local @!p0 [hbm:s0], s1  }
0xf9: {  	s0 =	simm.s32 @!p0 $0x1  }
0xfa: {  	_ =	swait.ge @!p0 [sflag:s0], s1  }
0xfb: {  	s1 =	ssub.s32 @!p0 $0x0, s1;
	[sflag:s0] =	ssyncset.done @!p0 $0x0  }
0xfc: {  	[sflag:s0] =	ssyncadd.s32 @!p0 s1  }
0xfd: {  	[bflag:$0x3] =	sbarrier.arrive $0xFFFF  }
0xfe: {  	_ =	shalt  }

</sc_bundles>
